<compile_context>
chip_gen: v7x
topology: tpu7x:2x2x1
jax: 0.10.2.dev20260603
libtpu: 0.0.44.dev20260713+nightly
codegen_flags: <defaults>
</compile_context>

<pallas_src>
import functools

import jax
import jax.numpy as jnp
from jax import lax
from jax.experimental import pallas as pl
from jax.experimental.pallas import tpu as pltpu
from jax.experimental.pallas import tpu_sc as plsc

NC = 2
NS = 16
NW = NC * NS

N = 10000
D = 128
E = 320000

B3 = 128
C3 = 80
SW = 16
EP = NW * C3 * B3
RPT = 632
NACC = NS * RPT

_mesh = plsc.VectorSubcoreMesh(core_axis_name="c", subcore_axis_name="s")
_sc_params = pltpu.CompilerParams(needs_layout_passes=False)


EW1 = E // NW


@functools.partial(
    pl.kernel,
    out_type=(
        jax.ShapeDtypeStruct((NW, N), jnp.float32),
        jax.ShapeDtypeStruct((NW, N), jnp.float32),
    ),
    mesh=_mesh,
    scratch_types=[
        pltpu.VMEM((EW1,), jnp.int32),
        pltpu.VMEM((EW1,), jnp.int32),
        pltpu.VMEM((N,), jnp.float32),
        pltpu.VMEM((N,), jnp.float32),
    ],
    compiler_params=_sc_params,
)
def _sc_bincount(row_ref, col_ref, cnt_out, self_out, rowv, colv, cntl, selfl):
    c = lax.axis_index("c")
    s = lax.axis_index("s")
    w = s * NC + c
    base = w * EW1
    pltpu.sync_copy(row_ref.at[pl.ds(base, EW1)], rowv)
    pltpu.sync_copy(col_ref.at[pl.ds(base, EW1)], colv)

    zeros16 = jnp.zeros((16,), jnp.float32)

    def zbody(i, carry):
        cntl[pl.ds(i * 16, 16)] = zeros16
        selfl[pl.ds(i * 16, 16)] = zeros16
        return carry

    lax.fori_loop(0, N // 16, zbody, 0)

    ones16 = jnp.ones((16,), jnp.float32)

    def body(i, carry):
        r = rowv[pl.ds(i * 16, 16)]
        cc = colv[pl.ds(i * 16, 16)]
        plsc.addupdate_scatter(cntl, [r], ones16)
        plsc.addupdate_scatter(
            selfl, [r], jnp.where(r == cc, 1.0, 0.0).astype(jnp.float32)
        )
        return carry

    lax.fori_loop(0, EW1 // 16, body, 0)

    pltpu.sync_copy(cntl, cnt_out.at[w])
    pltpu.sync_copy(selfl, self_out.at[w])


R2 = 2000


def _tc_transform_body(x_ref, m_ref, w_ref, cnt_ref, self_ref, y_ref):
    xb = x_ref[...]
    ox = xb
    m = m_ref[...]
    xb16 = xb.astype(jnp.bfloat16)
    for i in range(7):
        ox = ox + jnp.dot(
            xb16,
            w_ref[i].astype(jnp.bfloat16),
            preferred_element_type=jnp.float32,
        ) * m[:, i + 1 : i + 2]
    cnt = jnp.sum(cnt_ref[...], axis=1)
    selfc = jnp.sum(self_ref[...], axis=1)
    loop_w = jnp.where(selfc == 0.0, 1.0, 0.0)
    deg = cnt + loop_w
    dis = lax.rsqrt(deg)
    dis = jnp.where(jnp.isinf(dis), 0.0, dis)
    y_ref[...] = dis[:, None] * ox


def _tc_transform(x, masks, weight_id, cnt_t, self_t):
    return pl.pallas_call(
        _tc_transform_body,
        grid=(N // R2,),
        in_specs=[
            pl.BlockSpec((R2, D), lambda i: (i, 0)),
            pl.BlockSpec((R2, 8), lambda i: (i, 0)),
            pl.BlockSpec((7, D, D), lambda i: (0, 0, 0)),
            pl.BlockSpec((R2, NW), lambda i: (i, 0)),
            pl.BlockSpec((R2, NW), lambda i: (i, 0)),
        ],
        out_specs=pl.BlockSpec((R2, D), lambda i: (i, 0)),
        out_shape=jax.ShapeDtypeStruct((N, D), jnp.float32),
    )(x, masks, weight_id, cnt_t, self_t)


@functools.partial(
    pl.kernel,
    out_type=jax.ShapeDtypeStruct((NC, NACC, D), jnp.float32),
    mesh=_mesh,
    scratch_types=[
        pltpu.VMEM((2, SW, B3), jnp.int32),
        pltpu.VMEM((2, SW, B3), jnp.int32),
        pltpu.VMEM((B3, D), jnp.float32),
        pltpu.VMEM((B3, D), jnp.float32),
        pltpu.VMEM_SHARED((NACC, D), jnp.float32),
        pltpu.SemaphoreType.DMA,
        pltpu.SemaphoreType.DMA,
        pltpu.SemaphoreType.DMA,
    ],
    compiler_params=_sc_params,
)
def _sc_propagate(
    y_ref, row_ref, col_ref, z_ref, out_ref,
    ridx, cidx, buf0, buf1, acc, gs0, gs1, xs,
):
    c = lax.axis_index("c")
    s = lax.axis_index("s")
    w = s * NC + c
    tbase = s * RPT
    cw = C3
    cbase = w * C3
    nh = C3 // 2

    pltpu.sync_copy(z_ref.at[pl.ds(tbase, RPT)], acc.at[pl.ds(tbase, RPT)])

    off0 = pl.multiple_of(cbase, 8)
    pltpu.sync_copy(row_ref.at[pl.ds(off0, SW)], ridx.at[0])
    pltpu.sync_copy(col_ref.at[pl.ds(off0, SW)], cidx.at[0])
    plsc.subcore_barrier()

    def g_idx(j):
        return ridx.at[(j // SW) % 2, j % SW]

    def s_idx(j):
        return cidx.at[(j // SW) % 2, j % SW]

    def wait_g(buf, sem):
        pltpu.make_async_copy(y_ref.at[ridx.at[0, 0]], buf, sem).wait()

    pltpu.async_copy(y_ref.at[g_idx(0)], buf0, gs0)

    def body(h, carry):
        j0 = 2 * h

        @pl.when((j0 % SW == 0) & (j0 + SW < cw))
        def _():
            slot = ((j0 // SW) + 1) % 2
            off = pl.multiple_of(cbase + j0 + SW, 8)
            pltpu.async_copy(row_ref.at[pl.ds(off, SW)], ridx.at[slot], xs)
            pltpu.async_copy(col_ref.at[pl.ds(off, SW)], cidx.at[slot], xs)

        @pl.when((j0 % SW == SW - 2) & (j0 + 2 < cw))
        def _():
            pltpu.make_async_copy(
                row_ref.at[pl.ds(0, SW)], ridx.at[0], xs
            ).wait()
            pltpu.make_async_copy(
                col_ref.at[pl.ds(0, SW)], cidx.at[0], xs
            ).wait()

        pltpu.async_copy(y_ref.at[g_idx(j0 + 1)], buf1, gs1)
        wait_g(buf0, gs0)
        pltpu.sync_copy(buf0, acc.at[s_idx(j0)], add=True)

        @pl.when(h < nh - 1)
        def _():
            pltpu.async_copy(y_ref.at[g_idx(j0 + 2)], buf0, gs0)

        wait_g(buf1, gs1)
        pltpu.sync_copy(buf1, acc.at[s_idx(j0 + 1)], add=True)
        return carry

    lax.fori_loop(0, nh, body, 0)
    plsc.subcore_barrier()

    pltpu.sync_copy(
        acc.at[pl.ds(tbase, RPT)], out_ref.at[c, pl.ds(tbase, RPT)]
    )


def _tc_finish_body(p_ref, y_ref, cnt_ref, self_ref, out_ref):
    acc = p_ref[0] + p_ref[1]
    cnt = jnp.sum(cnt_ref[...], axis=1)
    selfc = jnp.sum(self_ref[...], axis=1)
    loop_w = jnp.where(selfc == 0.0, 1.0, 0.0)
    deg = cnt + loop_w
    dis = lax.rsqrt(deg)
    dis = jnp.where(jnp.isinf(dis), 0.0, dis)
    out_ref[...] = dis[:, None] * (acc + loop_w[:, None] * y_ref[...])


def _tc_finish(p, y, cnt_t, self_t):
    return pl.pallas_call(
        _tc_finish_body,
        grid=(N // R2,),
        in_specs=[
            pl.BlockSpec((NC, R2, D), lambda i: (0, i, 0)),
            pl.BlockSpec((R2, D), lambda i: (i, 0)),
            pl.BlockSpec((R2, NW), lambda i: (i, 0)),
            pl.BlockSpec((R2, NW), lambda i: (i, 0)),
        ],
        out_specs=pl.BlockSpec((R2, D), lambda i: (i, 0)),
        out_shape=jax.ShapeDtypeStruct((N, D), jnp.float32),
    )(p, y, cnt_t, self_t)


def kernel(x, edge_index, node_label, weight_id):
    row0 = edge_index[0]
    col0 = edge_index[1]

    cntp, selfp = _sc_bincount(row0, col0)
    cnt_t = cntp.T
    self_t = selfp.T

    masks = (
        node_label[:, None] == jnp.arange(8, dtype=node_label.dtype)[None, :]
    ).astype(x.dtype)
    y = _tc_transform(x, masks, weight_id, cnt_t, self_t)

    pad = EP - E
    ar = jnp.arange(pad, dtype=jnp.int32)
    rowp = jnp.concatenate([row0, ar & 8191]).reshape(EP // B3, B3)
    colp = jnp.concatenate([col0, N + (ar & 63)]).reshape(EP // B3, B3)
    zfull = jnp.zeros((NACC, D), jnp.float32)

    p = _sc_propagate(y, rowp, colp, zfull)
    return _tc_finish(p, y, cnt_t, self_t)

# --- scband reference (transcript-rebuilt; emitter-appended) ---
"""Pipeline reference for scband-general-idconv-28793460752468 (READ-ONLY COPY).

The authoritative reference and input builder live on the scoring server;
editing this copy changes nothing except your own understanding.
"""

import jax, jax.numpy as jnp
import numpy as np

N = 10000
E = 320000
D = 128


def setup_inputs(seed: int = 0) -> dict:
    key = jax.random.key(seed)
    k1, k2, k3, k4 = jax.random.split(key, 4)
    x = jax.random.normal(k1, (N, D), dtype=jnp.float32)
    edge_index = jax.random.randint(k2, (2, E), 0, N, dtype=jnp.int32)
    node_label = jax.random.randint(k3, (N,), 0, 8, dtype=jnp.int32)
    # glorot init for the 7 label-specific weights (stacked)
    a = float(np.sqrt(6.0 / (D + D)))
    weight_id = jax.random.uniform(k4, (7, D, D), minval=-a, maxval=a, dtype=jnp.float32)
    return {"x": x, "edge_index": edge_index, "node_label": node_label, "weight_id": weight_id}


def reference(x, edge_index, node_label, weight_id):
    n = x.shape[0]
    # id=None branch: skip center-node transform.
    # Label-conditional residual transforms (mask formulation of index_select + index_add_)
    ox = x
    for i in range(7):
        mask = (node_label == (i + 1)).astype(x.dtype)[:, None]
        ox = ox + (x @ weight_id[i]) * mask
    # symmetric GCN normalization with add_remaining_self_loops
    row0 = edge_index[0]
    col0 = edge_index[1]
    ew0 = jnp.ones((row0.shape[0],), dtype=x.dtype)
    is_self = (row0 == col0).astype(x.dtype)
    has_self = jnp.zeros((n,), dtype=x.dtype).at[row0].add(is_self) > 0
    loop_idx = jnp.arange(n, dtype=row0.dtype)
    loop_w = jnp.where(has_self, jnp.zeros((n,), dtype=x.dtype), jnp.ones((n,), dtype=x.dtype))
    row = jnp.concatenate([row0, loop_idx])
    col = jnp.concatenate([col0, loop_idx])
    ew = jnp.concatenate([ew0, loop_w])
    deg = jnp.zeros((n,), dtype=x.dtype).at[row].add(ew)
    dis = deg ** -0.5
    dis = jnp.where(jnp.isinf(dis), jnp.zeros_like(dis), dis)
    norm = dis[row] * ew * dis[col]
    # propagate: message = norm * x_j (x_j gathered at source=row), aggregate (sum) at target=col
    msg = norm[:, None] * ox[row]
    out = jnp.zeros((n, ox.shape[1]), dtype=x.dtype).at[col].add(msg)
    return out

if __name__ == "__main__":
    import jax
    _d = setup_inputs()
    print(jax.jit(kernel)(*tuple(_d.values())))

</pallas_src>

<mosaic_0001>
#map = affine_map<(d0, d1) -> (0)>
#map1 = affine_map<(d0, d1) -> (0, 0)>
module attributes {stable_mosaic.version = 14 : i64} {
  func.func @_sc_bincount(%arg0: i32, %arg1: i32, %arg2: memref<320000xi32, #tpu.memory_space<hbm>>, %arg3: memref<320000xi32, #tpu.memory_space<hbm>>, %arg4: memref<32x10000xf32, #tpu.memory_space<hbm>>, %arg5: memref<32x10000xf32, #tpu.memory_space<hbm>>, %arg6: memref<10000xi32, #tpu.memory_space<vmem>>, %arg7: memref<10000xi32, #tpu.memory_space<vmem>>, %arg8: memref<10000xf32, #tpu.memory_space<vmem>>, %arg9: memref<10000xf32, #tpu.memory_space<vmem>>) attributes {dimension_semantics = [#tpu.dimension_semantics<core_parallel>, #tpu.dimension_semantics<subcore_parallel>], iteration_bounds = array<i64: 2, 16>, scalar_prefetch = 0 : i64, scratch_operands = 4 : i64, tpu.core_type = #tpu.core_type<sc_vector_subcore>, window_params = [{transform_indices = #map}, {transform_indices = #map}, {transform_indices = #map1}, {transform_indices = #map1}]} {
    %mul3A = arith.constant 2 : i32
    %mul3A_0 = arith.muli %arg1, %mul3A : i32
    %add3A = arith.addi %mul3A_0, %arg0 : i32
    %mul3A_1 = arith.constant 10000 : i32
    %mul3A_2 = arith.muli %add3A, %mul3A_1 : i32
    "tpu.region"() ({
      %run_scoped3A = tpu.sem_alloc : memref<!tpu.dma_semaphore, #tpu.memory_space<semaphore_mem>>
      %dma_start3A = tpu.memref_slice %arg2[%mul3A_2] : memref<320000xi32, #tpu.memory_space<hbm>> -> memref<10000xi32, #tpu.memory_space<hbm>>
      %dma_start3A_17 = tpu.memref_slice %arg2[%mul3A_2] : memref<320000xi32, #tpu.memory_space<hbm>> -> memref<10000xi32, #tpu.memory_space<hbm>>
      tpu.enqueue_dma source(%dma_start3A_17 : memref<10000xi32, #tpu.memory_space<hbm>>) target(%arg6 : memref<10000xi32, #tpu.memory_space<vmem>>) target_semaphore(%run_scoped3A : memref<!tpu.dma_semaphore, #tpu.memory_space<semaphore_mem>>)
      %dma_wait3A = tpu.memref_slice %arg2[%mul3A_2] : memref<320000xi32, #tpu.memory_space<hbm>> -> memref<10000xi32, #tpu.memory_space<hbm>>
      %dma_wait3A_18 = tpu.memref_slice %arg2[%mul3A_2] : memref<320000xi32, #tpu.memory_space<hbm>> -> memref<10000xi32, #tpu.memory_space<hbm>>
      tpu.wait_dma2 semaphore(%run_scoped3A : memref<!tpu.dma_semaphore, #tpu.memory_space<semaphore_mem>>) src(%dma_wait3A_18 : memref<10000xi32, #tpu.memory_space<hbm>>) dst(%arg6 : memref<10000xi32, #tpu.memory_space<vmem>>)
      tpu.yield
    }) : () -> ()
    "tpu.region"() ({
      %run_scoped3A = tpu.sem_alloc : memref<!tpu.dma_semaphore, #tpu.memory_space<semaphore_mem>>
      %dma_start3A = tpu.memref_slice %arg3[%mul3A_2] : memref<320000xi32, #tpu.memory_space<hbm>> -> memref<10000xi32, #tpu.memory_space<hbm>>
      %dma_start3A_17 = tpu.memref_slice %arg3[%mul3A_2] : memref<320000xi32, #tpu.memory_space<hbm>> -> memref<10000xi32, #tpu.memory_space<hbm>>
      tpu.enqueue_dma source(%dma_start3A_17 : memref<10000xi32, #tpu.memory_space<hbm>>) target(%arg7 : memref<10000xi32, #tpu.memory_space<vmem>>) target_semaphore(%run_scoped3A : memref<!tpu.dma_semaphore, #tpu.memory_space<semaphore_mem>>)
      %dma_wait3A = tpu.memref_slice %arg3[%mul3A_2] : memref<320000xi32, #tpu.memory_space<hbm>> -> memref<10000xi32, #tpu.memory_space<hbm>>
      %dma_wait3A_18 = tpu.memref_slice %arg3[%mul3A_2] : memref<320000xi32, #tpu.memory_space<hbm>> -> memref<10000xi32, #tpu.memory_space<hbm>>
      tpu.wait_dma2 semaphore(%run_scoped3A : memref<!tpu.dma_semaphore, #tpu.memory_space<semaphore_mem>>) src(%dma_wait3A_18 : memref<10000xi32, #tpu.memory_space<hbm>>) dst(%arg7 : memref<10000xi32, #tpu.memory_space<vmem>>)
      tpu.yield
    }) : () -> ()
    %broadcast_in_dim3A = arith.constant 0.000000e+00 : f32
    %broadcast_in_dim3A_3 = vector.broadcast %broadcast_in_dim3A : f32 to vector<16xf32>
    %scan3A = arith.constant 0 : i32
    %scan3A_4 = arith.constant 0 : i32
    %scan3A_5 = arith.constant 625 : i32
    %scan3A_6 = arith.addi %scan3A_4, %scan3A_5 : i32
    %scan3A_7 = arith.constant 1 : i32
    scf.for %scan3A_17 = %scan3A_4 to %scan3A_6 step %scan3A_7  : i32 {
      %mul3A_18 = arith.constant 16 : i32
      %mul3A_19 = arith.muli %scan3A_17, %mul3A_18 : i32
      %swap3A = arith.index_cast %mul3A_19 : i32 to index
      %swap3A_20 = tpu.vector_load %arg8[%swap3A] {strides = array<i32>} : memref<10000xf32, #tpu.memory_space<vmem>>, vector<16xf32>,
      tpu.vector_store %arg8[%swap3A], %broadcast_in_dim3A_3 {strides = array<i32>} : memref<10000xf32, #tpu.memory_space<vmem>>, vector<16xf32>,
      %mul3A_21 = arith.constant 16 : i32
      %mul3A_22 = arith.muli %scan3A_17, %mul3A_21 : i32
      %swap3A_23 = arith.index_cast %mul3A_22 : i32 to index
      %swap3A_24 = tpu.vector_load %arg9[%swap3A_23] {strides = array<i32>} : memref<10000xf32, #tpu.memory_space<vmem>>, vector<16xf32>,
      tpu.vector_store %arg9[%swap3A_23], %broadcast_in_dim3A_3 {strides = array<i32>} : memref<10000xf32, #tpu.memory_space<vmem>>, vector<16xf32>,
    }
    %scan3A_8 = arith.constant 625 : i32
    %broadcast_in_dim3A_9 = arith.constant 1.000000e+00 : f32
    %broadcast_in_dim3A_10 = vector.broadcast %broadcast_in_dim3A_9 : f32 to vector<16xf32>
    %scan3A_11 = arith.constant 0 : i32
    %scan3A_12 = arith.constant 0 : i32
    %scan3A_13 = arith.constant 625 : i32
    %scan3A_14 = arith.addi %scan3A_12, %scan3A_13 : i32
    %scan3A_15 = arith.constant 1 : i32
    scf.for %scan3A_17 = %scan3A_12 to %scan3A_14 step %scan3A_15  : i32 {
      %mul3A_18 = arith.constant 16 : i32
      %mul3A_19 = arith.muli %scan3A_17, %mul3A_18 : i32
      %get3A = arith.index_cast %mul3A_19 : i32 to index
      %get3A_20 = tpu.vector_load %arg6[%get3A] {strides = array<i32>} : memref<10000xi32, #tpu.memory_space<vmem>>, vector<16xi32>,
      %mul3A_21 = arith.constant 16 : i32
      %mul3A_22 = arith.muli %scan3A_17, %mul3A_21 : i32
      %get3A_23 = arith.index_cast %mul3A_22 : i32 to index
      %get3A_24 = tpu.vector_load %arg7[%get3A_23] {strides = array<i32>} : memref<10000xi32, #tpu.memory_space<vmem>>, vector<16xi32>,
      tpu.vector_store_idx %arg8[%get3A_20], %broadcast_in_dim3A_10 {add = true} : memref<10000xf32, #tpu.memory_space<vmem>>[vector<16xi32>], vector<16xf32>,
      %eq3A = arith.cmpi eq, %get3A_20, %get3A_24 : vector<16xi32>
      %jit3A = arith.constant 1.000000e+00 : f32
      %jit3A_25 = arith.constant 0.000000e+00 : f32
      %broadcast_in_dim3A_26 = vector.broadcast %jit3A : f32 to vector<16xf32>
      %broadcast_in_dim3A_27 = vector.broadcast %jit3A_25 : f32 to vector<16xf32>
      %select_n3A = arith.select %eq3A, %broadcast_in_dim3A_26, %broadcast_in_dim3A_27 : vector<16xi1>, vector<16xf32>
      tpu.vector_store_idx %arg9[%get3A_20], %select_n3A {add = true} : memref<10000xf32, #tpu.memory_space<vmem>>[vector<16xi32>], vector<16xf32>,
    }
    %scan3A_16 = arith.constant 625 : i32
    "tpu.region"() ({
      %run_scoped3A = tpu.sem_alloc : memref<!tpu.dma_semaphore, #tpu.memory_space<semaphore_mem>>
      %dma_start3A = arith.constant 0 : i32
      %dma_start3A_17 = tpu.memref_slice %arg4[%add3A, %dma_start3A] : memref<32x10000xf32, #tpu.memory_space<hbm>> -> memref<1x10000xf32, #tpu.memory_space<hbm>>
      %dma_start3A_18 = tpu.memref_squeeze %dma_start3A_17 : memref<1x10000xf32, #tpu.memory_space<hbm>> -> memref<10000xf32, #tpu.memory_space<hbm>>
      %dma_start3A_19 = arith.constant 0 : i32
      %dma_start3A_20 = tpu.memref_slice %arg4[%add3A, %dma_start3A_19] : memref<32x10000xf32, #tpu.memory_space<hbm>> -> memref<1x10000xf32, #tpu.memory_space<hbm>>
      %dma_start3A_21 = tpu.memref_squeeze %dma_start3A_20 : memref<1x10000xf32, #tpu.memory_space<hbm>> -> memref<10000xf32, #tpu.memory_space<hbm>>
      tpu.enqueue_dma source(%arg8 : memref<10000xf32, #tpu.memory_space<vmem>>) target(%dma_start3A_21 : memref<10000xf32, #tpu.memory_space<hbm>>) target_semaphore(%run_scoped3A : memref<!tpu.dma_semaphore, #tpu.memory_space<semaphore_mem>>)
      %dma_wait3A = arith.constant 0 : i32
      %dma_wait3A_22 = tpu.memref_slice %arg4[%add3A, %dma_wait3A] : memref<32x10000xf32, #tpu.memory_space<hbm>> -> memref<1x10000xf32, #tpu.memory_space<hbm>>
      %dma_wait3A_23 = tpu.memref_squeeze %dma_wait3A_22 : memref<1x10000xf32, #tpu.memory_space<hbm>> -> memref<10000xf32, #tpu.memory_space<hbm>>
      %dma_wait3A_24 = arith.constant 0 : i32
      %dma_wait3A_25 = tpu.memref_slice %arg4[%add3A, %dma_wait3A_24] : memref<32x10000xf32, #tpu.memory_space<hbm>> -> memref<1x10000xf32, #tpu.memory_space<hbm>>
      %dma_wait3A_26 = tpu.memref_squeeze %dma_wait3A_25 : memref<1x10000xf32, #tpu.memory_space<hbm>> -> memref<10000xf32, #tpu.memory_space<hbm>>
      tpu.wait_dma2 semaphore(%run_scoped3A : memref<!tpu.dma_semaphore, #tpu.memory_space<semaphore_mem>>) src(%arg8 : memref<10000xf32, #tpu.memory_space<vmem>>) dst(%dma_wait3A_26 : memref<10000xf32, #tpu.memory_space<hbm>>)
      tpu.yield
    }) : () -> ()
    "tpu.region"() ({
      %run_scoped3A = tpu.sem_alloc : memref<!tpu.dma_semaphore, #tpu.memory_space<semaphore_mem>>
      %dma_start3A = arith.constant 0 : i32
      %dma_start3A_17 = tpu.memref_slice %arg5[%add3A, %dma_start3A] : memref<32x10000xf32, #tpu.memory_space<hbm>> -> memref<1x10000xf32, #tpu.memory_space<hbm>>
      %dma_start3A_18 = tpu.memref_squeeze %dma_start3A_17 : memref<1x10000xf32, #tpu.memory_space<hbm>> -> memref<10000xf32, #tpu.memory_space<hbm>>
      %dma_start3A_19 = arith.constant 0 : i32
      %dma_start3A_20 = tpu.memref_slice %arg5[%add3A, %dma_start3A_19] : memref<32x10000xf32, #tpu.memory_space<hbm>> -> memref<1x10000xf32, #tpu.memory_space<hbm>>
      %dma_start3A_21 = tpu.memref_squeeze %dma_start3A_20 : memref<1x10000xf32, #tpu.memory_space<hbm>> -> memref<10000xf32, #tpu.memory_space<hbm>>
      tpu.enqueue_dma source(%arg9 : memref<10000xf32, #tpu.memory_space<vmem>>) target(%dma_start3A_21 : memref<10000xf32, #tpu.memory_space<hbm>>) target_semaphore(%run_scoped3A : memref<!tpu.dma_semaphore, #tpu.memory_space<semaphore_mem>>)
      %dma_wait3A = arith.constant 0 : i32
      %dma_wait3A_22 = tpu.memref_slice %arg5[%add3A, %dma_wait3A] : memref<32x10000xf32, #tpu.memory_space<hbm>> -> memref<1x10000xf32, #tpu.memory_space<hbm>>
      %dma_wait3A_23 = tpu.memref_squeeze %dma_wait3A_22 : memref<1x10000xf32, #tpu.memory_space<hbm>> -> memref<10000xf32, #tpu.memory_space<hbm>>
      %dma_wait3A_24 = arith.constant 0 : i32
      %dma_wait3A_25 = tpu.memref_slice %arg5[%add3A, %dma_wait3A_24] : memref<32x10000xf32, #tpu.memory_space<hbm>> -> memref<1x10000xf32, #tpu.memory_space<hbm>>
      %dma_wait3A_26 = tpu.memref_squeeze %dma_wait3A_25 : memref<1x10000xf32, #tpu.memory_space<hbm>> -> memref<10000xf32, #tpu.memory_space<hbm>>
      tpu.wait_dma2 semaphore(%run_scoped3A : memref<!tpu.dma_semaphore, #tpu.memory_space<semaphore_mem>>) src(%arg9 : memref<10000xf32, #tpu.memory_space<vmem>>) dst(%dma_wait3A_26 : memref<10000xf32, #tpu.memory_space<hbm>>)
      tpu.yield
    }) : () -> ()
    return
  }
}

#map = affine_map<(d0, d1) -> (0, 0)>
#map1 = affine_map<(d0, d1) -> (0, 0, 0)>
module attributes {stable_mosaic.version = 14 : i64} {
  func.func @_sc_propagate(%arg0: i32, %arg1: i32, %arg2: memref<10000x128xf32, #tpu.memory_space<hbm>>, %arg3: memref<2560x128xi32, #tpu.memory_space<hbm>>, %arg4: memref<2560x128xi32, #tpu.memory_space<hbm>>, %arg5: memref<10112x128xf32, #tpu.memory_space<hbm>>, %arg6: memref<2x10112x128xf32, #tpu.memory_space<hbm>>, %arg7: memref<2x16x128xi32, #tpu.memory_space<vmem>>, %arg8: memref<2x16x128xi32, #tpu.memory_space<vmem>>, %arg9: memref<128x128xf32, #tpu.memory_space<vmem>>, %arg10: memref<128x128xf32, #tpu.memory_space<vmem>>, %arg11: memref<10112x128xf32, #tpu.memory_space<vmem_shared>>, %arg12: memref<!tpu.dma_semaphore, #tpu.memory_space<semaphore_mem>>, %arg13: memref<!tpu.dma_semaphore, #tpu.memory_space<semaphore_mem>>, %arg14: memref<!tpu.dma_semaphore, #tpu.memory_space<semaphore_mem>>) attributes {dimension_semantics = [#tpu.dimension_semantics<core_parallel>, #tpu.dimension_semantics<subcore_parallel>], iteration_bounds = array<i64: 2, 16>, scalar_prefetch = 0 : i64, scratch_operands = 8 : i64, tpu.core_type = #tpu.core_type<sc_vector_subcore>, window_params = [{transform_indices = #map}, {transform_indices = #map}, {transform_indices = #map}, {transform_indices = #map}, {transform_indices = #map1}]} {
    %mul3A = arith.constant 2 : i32
    %mul3A_0 = arith.muli %arg1, %mul3A : i32
    %add3A = arith.addi %mul3A_0, %arg0 : i32
    %mul3A_1 = arith.constant 632 : i32
    %mul3A_2 = arith.muli %arg1, %mul3A_1 : i32
    %mul3A_3 = arith.constant 80 : i32
    %mul3A_4 = arith.muli %add3A, %mul3A_3 : i32
    "tpu.region"() ({
      %run_scoped3A_19 = tpu.sem_alloc : memref<!tpu.dma_semaphore, #tpu.memory_space<semaphore_mem>>
      %dma_start3A_20 = arith.constant 0 : i32
      %dma_start3A_21 = tpu.memref_slice %arg11[%mul3A_2, %dma_start3A_20] : memref<10112x128xf32, #tpu.memory_space<vmem_shared>> -> memref<632x128xf32, #tpu.memory_space<vmem_shared>>
      %dma_start3A_22 = arith.constant 0 : i32
      %dma_start3A_23 = tpu.memref_slice %arg5[%mul3A_2, %dma_start3A_22] : memref<10112x128xf32, #tpu.memory_space<hbm>> -> memref<632x128xf32, #tpu.memory_space<hbm>>
      tpu.enqueue_dma source(%dma_start3A_23 : memref<632x128xf32, #tpu.memory_space<hbm>>) target(%dma_start3A_21 : memref<632x128xf32, #tpu.memory_space<vmem_shared>>) target_semaphore(%run_scoped3A_19 : memref<!tpu.dma_semaphore, #tpu.memory_space<semaphore_mem>>)
      %dma_wait3A = arith.constant 0 : i32
      %dma_wait3A_24 = tpu.memref_slice %arg11[%mul3A_2, %dma_wait3A] : memref<10112x128xf32, #tpu.memory_space<vmem_shared>> -> memref<632x128xf32, #tpu.memory_space<vmem_shared>>
      %dma_wait3A_25 = arith.constant 0 : i32
      %dma_wait3A_26 = tpu.memref_slice %arg5[%mul3A_2, %dma_wait3A_25] : memref<10112x128xf32, #tpu.memory_space<hbm>> -> memref<632x128xf32, #tpu.memory_space<hbm>>
      tpu.wait_dma2 semaphore(%run_scoped3A_19 : memref<!tpu.dma_semaphore, #tpu.memory_space<semaphore_mem>>) src(%dma_wait3A_26 : memref<632x128xf32, #tpu.memory_space<hbm>>) dst(%dma_wait3A_24 : memref<632x128xf32, #tpu.memory_space<vmem_shared>>)
      tpu.yield
    }) : () -> ()
    %multiple_of3A = tpu.assume_multiple %mul3A_4, 8 : i32
    %run_scoped3A = arith.constant 0 : i32
    "tpu.region"() ({
      %run_scoped3A_19 = tpu.sem_alloc : memref<!tpu.dma_semaphore, #tpu.memory_space<semaphore_mem>>
      %dma_start3A_20 = arith.constant 0 : i32
      %dma_start3A_21 = arith.constant 0 : i32
      %dma_start3A_22 = tpu.memref_slice %arg7[%run_scoped3A, %dma_start3A_20, %dma_start3A_21] : memref<2x16x128xi32, #tpu.memory_space<vmem>> -> memref<1x16x128xi32, #tpu.memory_space<vmem>>
      %dma_start3A_23 = tpu.memref_squeeze %dma_start3A_22 : memref<1x16x128xi32, #tpu.memory_space<vmem>> -> memref<16x128xi32, #tpu.memory_space<vmem>>
      %dma_start3A_24 = arith.constant 0 : i32
      %dma_start3A_25 = tpu.memref_slice %arg3[%multiple_of3A, %dma_start3A_24] : memref<2560x128xi32, #tpu.memory_space<hbm>> -> memref<16x128xi32, #tpu.memory_space<hbm>>
      %dma_start3A_26 = arith.constant 0 : i32
      %dma_start3A_27 = arith.constant 0 : i32
      %dma_start3A_28 = tpu.memref_slice %arg7[%run_scoped3A, %dma_start3A_26, %dma_start3A_27] : memref<2x16x128xi32, #tpu.memory_space<vmem>> -> memref<1x16x128xi32, #tpu.memory_space<vmem>>
      %dma_start3A_29 = tpu.memref_squeeze %dma_start3A_28 : memref<1x16x128xi32, #tpu.memory_space<vmem>> -> memref<16x128xi32, #tpu.memory_space<vmem>>
      %dma_start3A_30 = arith.constant 0 : i32
      %dma_start3A_31 = tpu.memref_slice %arg3[%multiple_of3A, %dma_start3A_30] : memref<2560x128xi32, #tpu.memory_space<hbm>> -> memref<16x128xi32, #tpu.memory_space<hbm>>
      tpu.enqueue_dma source(%dma_start3A_31 : memref<16x128xi32, #tpu.memory_space<hbm>>) target(%dma_start3A_29 : memref<16x128xi32, #tpu.memory_space<vmem>>) target_semaphore(%run_scoped3A_19 : memref<!tpu.dma_semaphore, #tpu.memory_space<semaphore_mem>>)
      %dma_wait3A = arith.constant 0 : i32
      %dma_wait3A_32 = arith.constant 0 : i32
      %dma_wait3A_33 = tpu.memref_slice %arg7[%run_scoped3A, %dma_wait3A, %dma_wait3A_32] : memref<2x16x128xi32, #tpu.memory_space<vmem>> -> memref<1x16x128xi32, #tpu.memory_space<vmem>>
      %dma_wait3A_34 = tpu.memref_squeeze %dma_wait3A_33 : memref<1x16x128xi32, #tpu.memory_space<vmem>> -> memref<16x128xi32, #tpu.memory_space<vmem>>
      %dma_wait3A_35 = arith.constant 0 : i32
      %dma_wait3A_36 = tpu.memref_slice %arg3[%multiple_of3A, %dma_wait3A_35] : memref<2560x128xi32, #tpu.memory_space<hbm>> -> memref<16x128xi32, #tpu.memory_space<hbm>>
      %dma_wait3A_37 = arith.constant 0 : i32
      %dma_wait3A_38 = arith.constant 0 : i32
      %dma_wait3A_39 = tpu.memref_slice %arg7[%run_scoped3A, %dma_wait3A_37, %dma_wait3A_38] : memref<2x16x128xi32, #tpu.memory_space<vmem>> -> memref<1x16x128xi32, #tpu.memory_space<vmem>>
      %dma_wait3A_40 = tpu.memref_squeeze %dma_wait3A_39 : memref<1x16x128xi32, #tpu.memory_space<vmem>> -> memref<16x128xi32, #tpu.memory_space<vmem>>
      %dma_wait3A_41 = arith.constant 0 : i32
      %dma_wait3A_42 = tpu.memref_slice %arg3[%multiple_of3A, %dma_wait3A_41] : memref<2560x128xi32, #tpu.memory_space<hbm>> -> memref<16x128xi32, #tpu.memory_space<hbm>>
      tpu.wait_dma2 semaphore(%run_scoped3A_19 : memref<!tpu.dma_semaphore, #tpu.memory_space<semaphore_mem>>) src(%dma_wait3A_42 : memref<16x128xi32, #tpu.memory_space<hbm>>) dst(%dma_wait3A_40 : memref<16x128xi32, #tpu.memory_space<vmem>>)
      tpu.yield
    }) : () -> ()
    %run_scoped3A_5 = arith.constant 0 : i32
    "tpu.region"() ({
      %run_scoped3A_19 = tpu.sem_alloc : memref<!tpu.dma_semaphore, #tpu.memory_space<semaphore_mem>>
      %dma_start3A_20 = arith.constant 0 : i32
      %dma_start3A_21 = arith.constant 0 : i32
      %dma_start3A_22 = tpu.memref_slice %arg8[%run_scoped3A_5, %dma_start3A_20, %dma_start3A_21] : memref<2x16x128xi32, #tpu.memory_space<vmem>> -> memref<1x16x128xi32, #tpu.memory_space<vmem>>
      %dma_start3A_23 = tpu.memref_squeeze %dma_start3A_22 : memref<1x16x128xi32, #tpu.memory_space<vmem>> -> memref<16x128xi32, #tpu.memory_space<vmem>>
      %dma_start3A_24 = arith.constant 0 : i32
      %dma_start3A_25 = tpu.memref_slice %arg4[%multiple_of3A, %dma_start3A_24] : memref<2560x128xi32, #tpu.memory_space<hbm>> -> memref<16x128xi32, #tpu.memory_space<hbm>>
      %dma_start3A_26 = arith.constant 0 : i32
      %dma_start3A_27 = arith.constant 0 : i32
      %dma_start3A_28 = tpu.memref_slice %arg8[%run_scoped3A_5, %dma_start3A_26, %dma_start3A_27] : memref<2x16x128xi32, #tpu.memory_space<vmem>> -> memref<1x16x128xi32, #tpu.memory_space<vmem>>
      %dma_start3A_29 = tpu.memref_squeeze %dma_start3A_28 : memref<1x16x128xi32, #tpu.memory_space<vmem>> -> memref<16x128xi32, #tpu.memory_space<vmem>>
      %dma_start3A_30 = arith.constant 0 : i32
      %dma_start3A_31 = tpu.memref_slice %arg4[%multiple_of3A, %dma_start3A_30] : memref<2560x128xi32, #tpu.memory_space<hbm>> -> memref<16x128xi32, #tpu.memory_space<hbm>>
      tpu.enqueue_dma source(%dma_start3A_31 : memref<16x128xi32, #tpu.memory_space<hbm>>) target(%dma_start3A_29 : memref<16x128xi32, #tpu.memory_space<vmem>>) target_semaphore(%run_scoped3A_19 : memref<!tpu.dma_semaphore, #tpu.memory_space<semaphore_mem>>)
      %dma_wait3A = arith.constant 0 : i32
      %dma_wait3A_32 = arith.constant 0 : i32
      %dma_wait3A_33 = tpu.memref_slice %arg8[%run_scoped3A_5, %dma_wait3A, %dma_wait3A_32] : memref<2x16x128xi32, #tpu.memory_space<vmem>> -> memref<1x16x128xi32, #tpu.memory_space<vmem>>
      %dma_wait3A_34 = tpu.memref_squeeze %dma_wait3A_33 : memref<1x16x128xi32, #tpu.memory_space<vmem>> -> memref<16x128xi32, #tpu.memory_space<vmem>>
      %dma_wait3A_35 = arith.constant 0 : i32
      %dma_wait3A_36 = tpu.memref_slice %arg4[%multiple_of3A, %dma_wait3A_35] : memref<2560x128xi32, #tpu.memory_space<hbm>> -> memref<16x128xi32, #tpu.memory_space<hbm>>
      %dma_wait3A_37 = arith.constant 0 : i32
      %dma_wait3A_38 = arith.constant 0 : i32
      %dma_wait3A_39 = tpu.memref_slice %arg8[%run_scoped3A_5, %dma_wait3A_37, %dma_wait3A_38] : memref<2x16x128xi32, #tpu.memory_space<vmem>> -> memref<1x16x128xi32, #tpu.memory_space<vmem>>
      %dma_wait3A_40 = tpu.memref_squeeze %dma_wait3A_39 : memref<1x16x128xi32, #tpu.memory_space<vmem>> -> memref<16x128xi32, #tpu.memory_space<vmem>>
      %dma_wait3A_41 = arith.constant 0 : i32
      %dma_wait3A_42 = tpu.memref_slice %arg4[%multiple_of3A, %dma_wait3A_41] : memref<2560x128xi32, #tpu.memory_space<hbm>> -> memref<16x128xi32, #tpu.memory_space<hbm>>
      tpu.wait_dma2 semaphore(%run_scoped3A_19 : memref<!tpu.dma_semaphore, #tpu.memory_space<semaphore_mem>>) src(%dma_wait3A_42 : memref<16x128xi32, #tpu.memory_space<hbm>>) dst(%dma_wait3A_40 : memref<16x128xi32, #tpu.memory_space<vmem>>)
      tpu.yield
    }) : () -> ()
    %barrier3A = arith.constant 0 : index
    tpu.barrier barrier_id(%barrier3A)
    %dma_start3A = arith.constant 0 : i32
    %dma_start3A_6 = arith.constant 0 : i32
    %dma_start3A_7 = arith.constant 0 : i32
    %dma_start3A_8 = tpu.memref_slice %arg7[%dma_start3A, %dma_start3A_6, %dma_start3A_7] : memref<2x16x128xi32, #tpu.memory_space<vmem>> -> memref<1x1x128xi32, #tpu.memory_space<vmem>>
    %dma_start3A_9 = tpu.memref_squeeze %dma_start3A_8 : memref<1x1x128xi32, #tpu.memory_space<vmem>> -> memref<128xi32, #tpu.memory_space<vmem>>
    %dma_start3A_10 = arith.constant 0 : i32
    %dma_start3A_11 = arith.constant 0 : i32
    %dma_start3A_12 = tpu.memref_slice %arg2[%dma_start3A_10, %dma_start3A_11] : memref<10000x128xf32, #tpu.memory_space<hbm>> -> memref<10000x128xf32, #tpu.memory_space<hbm>>
    tpu.enqueue_indirect_dma source(%dma_start3A_12 : memref<10000x128xf32, #tpu.memory_space<hbm>>) target(%arg9 : memref<128x128xf32, #tpu.memory_space<vmem>>) offsets(%dma_start3A_9 : memref<128xi32, #tpu.memory_space<vmem>>) semaphore(%arg12 : memref<!tpu.dma_semaphore, #tpu.memory_space<semaphore_mem>>)
    %scan3A = arith.constant 0 : i32
    %scan3A_13 = arith.constant 0 : i32
    %scan3A_14 = arith.constant 40 : i32
    %scan3A_15 = arith.addi %scan3A_13, %scan3A_14 : i32
    %scan3A_16 = arith.constant 1 : i32
    scf.for %scan3A_19 = %scan3A_13 to %scan3A_15 step %scan3A_16  : i32 {
      %mul3A_20 = arith.constant 2 : i32
      %mul3A_21 = arith.muli %mul3A_20, %scan3A_19 : i32
      %jit3A = arith.constant 16 : i32
      %eq3A = arith.constant 0 : i32
      %eq3A_22 = arith.cmpi eq, %jit3A, %eq3A : i32
      %jit3A_23 = arith.constant 1 : i32
      %select_n3A = arith.select %eq3A_22, %jit3A_23, %jit3A : i32
      %rem3A = arith.remsi %mul3A_21, %select_n3A : i32
      %ne3A = arith.constant 0 : i32
      %ne3A_24 = arith.cmpi ne, %rem3A, %ne3A : i32
      %lt3A = arith.constant 0 : i32
      %lt3A_25 = arith.cmpi slt, %rem3A, %lt3A : i32
      %lt3A_26 = arith.constant 0 : i32
      %lt3A_27 = arith.cmpi slt, %select_n3A, %lt3A_26 : i32
      %ne3A_28 = arith.xori %lt3A_25, %lt3A_27 : i1
      %and3A = arith.andi %ne3A_28, %ne3A_24 : i1
      %add3A_29 = arith.addi %rem3A, %select_n3A : i32
      %select_n3A_30 = arith.select %and3A, %add3A_29, %rem3A : i32
      %eq3A_31 = arith.constant 0 : i32
      %eq3A_32 = arith.cmpi eq, %select_n3A_30, %eq3A_31 : i32
      %add3A_33 = arith.constant 16 : i32
      %add3A_34 = arith.addi %mul3A_21, %add3A_33 : i32
      %lt3A_35 = arith.constant 80 : i32
      %lt3A_36 = arith.cmpi slt, %add3A_34, %lt3A_35 : i32
      %and3A_37 = arith.andi %eq3A_32, %lt3A_36 : i1
      %convert_element_type3A = arith.extui %and3A_37 : i1 to i32
      %cond3A = arith.constant 0 : i32
      %cond3A_38 = arith.cmpi ne, %convert_element_type3A, %cond3A : i32
      scf.if %cond3A_38 {
        %jit3A_260 = arith.constant 16 : i32
        %div3A_261 = arith.divsi %mul3A_21, %jit3A_260 : i32
        %sign3A_262 = arith.constant 0 : i32
        %sign3A_263 = arith.cmpi sgt, %mul3A_21, %sign3A_262 : i32
        %sign3A_264 = arith.extui %sign3A_263 : i1 to i32
        %sign3A_265 = arith.constant 0 : i32
        %sign3A_266 = arith.cmpi slt, %mul3A_21, %sign3A_265 : i32
        %sign3A_267 = arith.extui %sign3A_266 : i1 to i32
        %sign3A_268 = arith.subi %sign3A_264, %sign3A_267 : i32
        %sign3A_269 = arith.constant 0 : i32
        %sign3A_270 = arith.cmpi sgt, %jit3A_260, %sign3A_269 : i32
        %sign3A_271 = arith.extui %sign3A_270 : i1 to i32
        %sign3A_272 = arith.constant 0 : i32
        %sign3A_273 = arith.cmpi slt, %jit3A_260, %sign3A_272 : i32
        %sign3A_274 = arith.extui %sign3A_273 : i1 to i32
        %sign3A_275 = arith.subi %sign3A_271, %sign3A_274 : i32
        %ne3A_276 = arith.cmpi ne, %sign3A_268, %sign3A_275 : i32
        %rem3A_277 = arith.remsi %mul3A_21, %jit3A_260 : i32
        %ne3A_278 = arith.constant 0 : i32
        %ne3A_279 = arith.cmpi ne, %rem3A_277, %ne3A_278 : i32
        %and3A_280 = arith.andi %ne3A_276, %ne3A_279 : i1
        %sub3A_281 = arith.constant 1 : i32
        %sub3A_282 = arith.subi %div3A_261, %sub3A_281 : i32
        %select_n3A_283 = arith.select %and3A_280, %sub3A_282, %div3A_261 : i32
        %add3A_284 = arith.constant 1 : i32
        %add3A_285 = arith.addi %select_n3A_283, %add3A_284 : i32
        %jit3A_286 = arith.constant 2 : i32
        %eq3A_287 = arith.constant 0 : i32
        %eq3A_288 = arith.cmpi eq, %jit3A_286, %eq3A_287 : i32
        %jit3A_289 = arith.constant 1 : i32
        %select_n3A_290 = arith.select %eq3A_288, %jit3A_289, %jit3A_286 : i32
        %rem3A_291 = arith.remsi %add3A_285, %select_n3A_290 : i32
        %ne3A_292 = arith.constant 0 : i32
        %ne3A_293 = arith.cmpi ne, %rem3A_291, %ne3A_292 : i32
        %lt3A_294 = arith.constant 0 : i32
        %lt3A_295 = arith.cmpi slt, %rem3A_291, %lt3A_294 : i32
        %lt3A_296 = arith.constant 0 : i32
        %lt3A_297 = arith.cmpi slt, %select_n3A_290, %lt3A_296 : i32
        %ne3A_298 = arith.xori %lt3A_295, %lt3A_297 : i1
        %and3A_299 = arith.andi %ne3A_298, %ne3A_293 : i1
        %add3A_300 = arith.addi %rem3A_291, %select_n3A_290 : i32
        %select_n3A_301 = arith.select %and3A_299, %add3A_300, %rem3A_291 : i32
        %add3A_302 = arith.addi %mul3A_4, %mul3A_21 : i32
        %add3A_303 = arith.constant 16 : i32
        %add3A_304 = arith.addi %add3A_302, %add3A_303 : i32
        %multiple_of3A_305 = tpu.assume_multiple %add3A_304, 8 : i32
        %dma_start3A_306 = arith.constant 0 : i32
        %dma_start3A_307 = arith.constant 0 : i32
        %dma_start3A_308 = tpu.memref_slice %arg7[%select_n3A_301, %dma_start3A_306, %dma_start3A_307] : memref<2x16x128xi32, #tpu.memory_space<vmem>> -> memref<1x16x128xi32, #tpu.memory_space<vmem>>
        %dma_start3A_309 = tpu.memref_squeeze %dma_start3A_308 : memref<1x16x128xi32, #tpu.memory_space<vmem>> -> memref<16x128xi32, #tpu.memory_space<vmem>>
        %dma_start3A_310 = arith.constant 0 : i32
        %dma_start3A_311 = tpu.memref_slice %arg3[%multiple_of3A_305, %dma_start3A_310] : memref<2560x128xi32, #tpu.memory_space<hbm>> -> memref<16x128xi32, #tpu.memory_space<hbm>>
        %dma_start3A_312 = arith.constant 0 : i32
        %dma_start3A_313 = arith.constant 0 : i32
        %dma_start3A_314 = tpu.memref_slice %arg7[%select_n3A_301, %dma_start3A_312, %dma_start3A_313] : memref<2x16x128xi32, #tpu.memory_space<vmem>> -> memref<1x16x128xi32, #tpu.memory_space<vmem>>
        %dma_start3A_315 = tpu.memref_squeeze %dma_start3A_314 : memref<1x16x128xi32, #tpu.memory_space<vmem>> -> memref<16x128xi32, #tpu.memory_space<vmem>>
        %dma_start3A_316 = arith.constant 0 : i32
        %dma_start3A_317 = tpu.memref_slice %arg3[%multiple_of3A_305, %dma_start3A_316] : memref<2560x128xi32, #tpu.memory_space<hbm>> -> memref<16x128xi32, #tpu.memory_space<hbm>>
        tpu.enqueue_dma source(%dma_start3A_317 : memref<16x128xi32, #tpu.memory_space<hbm>>) target(%dma_start3A_315 : memref<16x128xi32, #tpu.memory_space<vmem>>) target_semaphore(%arg14 : memref<!tpu.dma_semaphore, #tpu.memory_space<semaphore_mem>>)
        %dma_start3A_318 = arith.constant 0 : i32
        %dma_start3A_319 = arith.constant 0 : i32
        %dma_start3A_320 = tpu.memref_slice %arg8[%select_n3A_301, %dma_start3A_318, %dma_start3A_319] : memref<2x16x128xi32, #tpu.memory_space<vmem>> -> memref<1x16x128xi32, #tpu.memory_space<vmem>>
        %dma_start3A_321 = tpu.memref_squeeze %dma_start3A_320 : memref<1x16x128xi32, #tpu.memory_space<vmem>> -> memref<16x128xi32, #tpu.memory_space<vmem>>
        %dma_start3A_322 = arith.constant 0 : i32
        %dma_start3A_323 = tpu.memref_slice %arg4[%multiple_of3A_305, %dma_start3A_322] : memref<2560x128xi32, #tpu.memory_space<hbm>> -> memref<16x128xi32, #tpu.memory_space<hbm>>
        %dma_start3A_324 = arith.constant 0 : i32
        %dma_start3A_325 = arith.constant 0 : i32
        %dma_start3A_326 = tpu.memref_slice %arg8[%select_n3A_301, %dma_start3A_324, %dma_start3A_325] : memref<2x16x128xi32, #tpu.memory_space<vmem>> -> memref<1x16x128xi32, #tpu.memory_space<vmem>>
        %dma_start3A_327 = tpu.memref_squeeze %dma_start3A_326 : memref<1x16x128xi32, #tpu.memory_space<vmem>> -> memref<16x128xi32, #tpu.memory_space<vmem>>
        %dma_start3A_328 = arith.constant 0 : i32
        %dma_start3A_329 = tpu.memref_slice %arg4[%multiple_of3A_305, %dma_start3A_328] : memref<2560x128xi32, #tpu.memory_space<hbm>> -> memref<16x128xi32, #tpu.memory_space<hbm>>
        tpu.enqueue_dma source(%dma_start3A_329 : memref<16x128xi32, #tpu.memory_space<hbm>>) target(%dma_start3A_327 : memref<16x128xi32, #tpu.memory_space<vmem>>) target_semaphore(%arg14 : memref<!tpu.dma_semaphore, #tpu.memory_space<semaphore_mem>>)
      } else {
      }
      %jit3A_39 = arith.constant 16 : i32
      %eq3A_40 = arith.constant 0 : i32
      %eq3A_41 = arith.cmpi eq, %jit3A_39, %eq3A_40 : i32
      %jit3A_42 = arith.constant 1 : i32
      %select_n3A_43 = arith.select %eq3A_41, %jit3A_42, %jit3A_39 : i32
      %rem3A_44 = arith.remsi %mul3A_21, %select_n3A_43 : i32
      %ne3A_45 = arith.constant 0 : i32
      %ne3A_46 = arith.cmpi ne, %rem3A_44, %ne3A_45 : i32
      %lt3A_47 = arith.constant 0 : i32
      %lt3A_48 = arith.cmpi slt, %rem3A_44, %lt3A_47 : i32
      %lt3A_49 = arith.constant 0 : i32
      %lt3A_50 = arith.cmpi slt, %select_n3A_43, %lt3A_49 : i32
      %ne3A_51 = arith.xori %lt3A_48, %lt3A_50 : i1
      %and3A_52 = arith.andi %ne3A_51, %ne3A_46 : i1
      %add3A_53 = arith.addi %rem3A_44, %select_n3A_43 : i32
      %select_n3A_54 = arith.select %and3A_52, %add3A_53, %rem3A_44 : i32
      %eq3A_55 = arith.constant 14 : i32
      %eq3A_56 = arith.cmpi eq, %select_n3A_54, %eq3A_55 : i32
      %add3A_57 = arith.constant 2 : i32
      %add3A_58 = arith.addi %mul3A_21, %add3A_57 : i32
      %lt3A_59 = arith.constant 80 : i32
      %lt3A_60 = arith.cmpi slt, %add3A_58, %lt3A_59 : i32
      %and3A_61 = arith.andi %eq3A_56, %lt3A_60 : i1
      %convert_element_type3A_62 = arith.extui %and3A_61 : i1 to i32
      %cond3A_63 = arith.constant 0 : i32
      %cond3A_64 = arith.cmpi ne, %convert_element_type3A_62, %cond3A_63 : i32
      scf.if %cond3A_64 {
        %dma_wait3A_260 = arith.constant 0 : i32
        %dma_wait3A_261 = arith.constant 0 : i32
        %dma_wait3A_262 = arith.constant 0 : i32
        %dma_wait3A_263 = tpu.memref_slice %arg7[%dma_wait3A_260, %dma_wait3A_261, %dma_wait3A_262] : memref<2x16x128xi32, #tpu.memory_space<vmem>> -> memref<1x16x128xi32, #tpu.memory_space<vmem>>
        %dma_wait3A_264 = tpu.memref_squeeze %dma_wait3A_263 : memref<1x16x128xi32, #tpu.memory_space<vmem>> -> memref<16x128xi32, #tpu.memory_space<vmem>>
        %dma_wait3A_265 = arith.constant 0 : i32
        %dma_wait3A_266 = arith.constant 0 : i32
        %dma_wait3A_267 = tpu.memref_slice %arg3[%dma_wait3A_265, %dma_wait3A_266] : memref<2560x128xi32, #tpu.memory_space<hbm>> -> memref<16x128xi32, #tpu.memory_space<hbm>>
        %dma_wait3A_268 = arith.constant 0 : i32
        %dma_wait3A_269 = arith.constant 0 : i32
        %dma_wait3A_270 = tpu.memref_slice %arg7[%dma_wait3A_260, %dma_wait3A_268, %dma_wait3A_269] : memref<2x16x128xi32, #tpu.memory_space<vmem>> -> memref<1x16x128xi32, #tpu.memory_space<vmem>>
        %dma_wait3A_271 = tpu.memref_squeeze %dma_wait3A_270 : memref<1x16x128xi32, #tpu.memory_space<vmem>> -> memref<16x128xi32, #tpu.memory_space<vmem>>
        %dma_wait3A_272 = arith.constant 0 : i32
        %dma_wait3A_273 = arith.constant 0 : i32
        %dma_wait3A_274 = tpu.memref_slice %arg3[%dma_wait3A_272, %dma_wait3A_273] : memref<2560x128xi32, #tpu.memory_space<hbm>> -> memref<16x128xi32, #tpu.memory_space<hbm>>
        tpu.wait_dma2 semaphore(%arg14 : memref<!tpu.dma_semaphore, #tpu.memory_space<semaphore_mem>>) src(%dma_wait3A_274 : memref<16x128xi32, #tpu.memory_space<hbm>>) dst(%dma_wait3A_271 : memref<16x128xi32, #tpu.memory_space<vmem>>)
        %dma_wait3A_275 = arith.constant 0 : i32
        %dma_wait3A_276 = arith.constant 0 : i32
        %dma_wait3A_277 = arith.constant 0 : i32
        %dma_wait3A_278 = tpu.memref_slice %arg8[%dma_wait3A_275, %dma_wait3A_276, %dma_wait3A_277] : memref<2x16x128xi32, #tpu.memory_space<vmem>> -> memref<1x16x128xi32, #tpu.memory_space<vmem>>
        %dma_wait3A_279 = tpu.memref_squeeze %dma_wait3A_278 : memref<1x16x128xi32, #tpu.memory_space<vmem>> -> memref<16x128xi32, #tpu.memory_space<vmem>>
        %dma_wait3A_280 = arith.constant 0 : i32
        %dma_wait3A_281 = arith.constant 0 : i32
        %dma_wait3A_282 = tpu.memref_slice %arg4[%dma_wait3A_280, %dma_wait3A_281] : memref<2560x128xi32, #tpu.memory_space<hbm>> -> memref<16x128xi32, #tpu.memory_space<hbm>>
        %dma_wait3A_283 = arith.constant 0 : i32
        %dma_wait3A_284 = arith.constant 0 : i32
        %dma_wait3A_285 = tpu.memref_slice %arg8[%dma_wait3A_275, %dma_wait3A_283, %dma_wait3A_284] : memref<2x16x128xi32, #tpu.memory_space<vmem>> -> memref<1x16x128xi32, #tpu.memory_space<vmem>>
        %dma_wait3A_286 = tpu.memref_squeeze %dma_wait3A_285 : memref<1x16x128xi32, #tpu.memory_space<vmem>> -> memref<16x128xi32, #tpu.memory_space<vmem>>
        %dma_wait3A_287 = arith.constant 0 : i32
        %dma_wait3A_288 = arith.constant 0 : i32
        %dma_wait3A_289 = tpu.memref_slice %arg4[%dma_wait3A_287, %dma_wait3A_288] : memref<2560x128xi32, #tpu.memory_space<hbm>> -> memref<16x128xi32, #tpu.memory_space<hbm>>
        tpu.wait_dma2 semaphore(%arg14 : memref<!tpu.dma_semaphore, #tpu.memory_space<semaphore_mem>>) src(%dma_wait3A_289 : memref<16x128xi32, #tpu.memory_space<hbm>>) dst(%dma_wait3A_286 : memref<16x128xi32, #tpu.memory_space<vmem>>)
      } else {
      }
      %add3A_65 = arith.constant 1 : i32
      %add3A_66 = arith.addi %mul3A_21, %add3A_65 : i32
      %jit3A_67 = arith.constant 16 : i32
      %div3A = arith.divsi %add3A_66, %jit3A_67 : i32
      %sign3A = arith.constant 0 : i32
      %sign3A_68 = arith.cmpi sgt, %add3A_66, %sign3A : i32
      %sign3A_69 = arith.extui %sign3A_68 : i1 to i32
      %sign3A_70 = arith.constant 0 : i32
      %sign3A_71 = arith.cmpi slt, %add3A_66, %sign3A_70 : i32
      %sign3A_72 = arith.extui %sign3A_71 : i1 to i32
      %sign3A_73 = arith.subi %sign3A_69, %sign3A_72 : i32
      %sign3A_74 = arith.constant 0 : i32
      %sign3A_75 = arith.cmpi sgt, %jit3A_67, %sign3A_74 : i32
      %sign3A_76 = arith.extui %sign3A_75 : i1 to i32
      %sign3A_77 = arith.constant 0 : i32
      %sign3A_78 = arith.cmpi slt, %jit3A_67, %sign3A_77 : i32
      %sign3A_79 = arith.extui %sign3A_78 : i1 to i32
      %sign3A_80 = arith.subi %sign3A_76, %sign3A_79 : i32
      %ne3A_81 = arith.cmpi ne, %sign3A_73, %sign3A_80 : i32
      %rem3A_82 = arith.remsi %add3A_66, %jit3A_67 : i32
      %ne3A_83 = arith.constant 0 : i32
      %ne3A_84 = arith.cmpi ne, %rem3A_82, %ne3A_83 : i32
      %and3A_85 = arith.andi %ne3A_81, %ne3A_84 : i1
      %sub3A = arith.constant 1 : i32
      %sub3A_86 = arith.subi %div3A, %sub3A : i32
      %select_n3A_87 = arith.select %and3A_85, %sub3A_86, %div3A : i32
      %jit3A_88 = arith.constant 2 : i32
      %eq3A_89 = arith.constant 0 : i32
      %eq3A_90 = arith.cmpi eq, %jit3A_88, %eq3A_89 : i32
      %jit3A_91 = arith.constant 1 : i32
      %select_n3A_92 = arith.select %eq3A_90, %jit3A_91, %jit3A_88 : i32
      %rem3A_93 = arith.remsi %select_n3A_87, %select_n3A_92 : i32
      %ne3A_94 = arith.constant 0 : i32
      %ne3A_95 = arith.cmpi ne, %rem3A_93, %ne3A_94 : i32
      %lt3A_96 = arith.constant 0 : i32
      %lt3A_97 = arith.cmpi slt, %rem3A_93, %lt3A_96 : i32
      %lt3A_98 = arith.constant 0 : i32
      %lt3A_99 = arith.cmpi slt, %select_n3A_92, %lt3A_98 : i32
      %ne3A_100 = arith.xori %lt3A_97, %lt3A_99 : i1
      %and3A_101 = arith.andi %ne3A_100, %ne3A_95 : i1
      %add3A_102 = arith.addi %rem3A_93, %select_n3A_92 : i32
      %select_n3A_103 = arith.select %and3A_101, %add3A_102, %rem3A_93 : i32
      %jit3A_104 = arith.constant 16 : i32
      %eq3A_105 = arith.constant 0 : i32
      %eq3A_106 = arith.cmpi eq, %jit3A_104, %eq3A_105 : i32
      %jit3A_107 = arith.constant 1 : i32
      %select_n3A_108 = arith.select %eq3A_106, %jit3A_107, %jit3A_104 : i32
      %rem3A_109 = arith.remsi %add3A_66, %select_n3A_108 : i32
      %ne3A_110 = arith.constant 0 : i32
      %ne3A_111 = arith.cmpi ne, %rem3A_109, %ne3A_110 : i32
      %lt3A_112 = arith.constant 0 : i32
      %lt3A_113 = arith.cmpi slt, %rem3A_109, %lt3A_112 : i32
      %lt3A_114 = arith.constant 0 : i32
      %lt3A_115 = arith.cmpi slt, %select_n3A_108, %lt3A_114 : i32
      %ne3A_116 = arith.xori %lt3A_113, %lt3A_115 : i1
      %and3A_117 = arith.andi %ne3A_116, %ne3A_111 : i1
      %add3A_118 = arith.addi %rem3A_109, %select_n3A_108 : i32
      %select_n3A_119 = arith.select %and3A_117, %add3A_118, %rem3A_109 : i32
      %dma_start3A_120 = arith.constant 0 : i32
      %dma_start3A_121 = tpu.memref_slice %arg7[%select_n3A_103, %select_n3A_119, %dma_start3A_120] : memref<2x16x128xi32, #tpu.memory_space<vmem>> -> memref<1x1x128xi32, #tpu.memory_space<vmem>>
      %dma_start3A_122 = tpu.memref_squeeze %dma_start3A_121 : memref<1x1x128xi32, #tpu.memory_space<vmem>> -> memref<128xi32, #tpu.memory_space<vmem>>
      %dma_start3A_123 = arith.constant 0 : i32
      %dma_start3A_124 = arith.constant 0 : i32
      %dma_start3A_125 = tpu.memref_slice %arg2[%dma_start3A_123, %dma_start3A_124] : memref<10000x128xf32, #tpu.memory_space<hbm>> -> memref<10000x128xf32, #tpu.memory_space<hbm>>
      tpu.enqueue_indirect_dma source(%dma_start3A_125 : memref<10000x128xf32, #tpu.memory_space<hbm>>) target(%arg10 : memref<128x128xf32, #tpu.memory_space<vmem>>) offsets(%dma_start3A_122 : memref<128xi32, #tpu.memory_space<vmem>>) semaphore(%arg13 : memref<!tpu.dma_semaphore, #tpu.memory_space<semaphore_mem>>)
      %dma_wait3A = arith.constant 0 : i32
      %dma_wait3A_126 = arith.constant 0 : i32
      %dma_wait3A_127 = arith.constant 0 : i32
      %dma_wait3A_128 = tpu.memref_slice %arg7[%dma_wait3A, %dma_wait3A_126, %dma_wait3A_127] : memref<2x16x128xi32, #tpu.memory_space<vmem>> -> memref<1x1x128xi32, #tpu.memory_space<vmem>>
      %dma_wait3A_129 = tpu.memref_squeeze %dma_wait3A_128 : memref<1x1x128xi32, #tpu.memory_space<vmem>> -> memref<128xi32, #tpu.memory_space<vmem>>
      %dma_wait3A_130 = arith.constant 0 : i32
      %dma_wait3A_131 = arith.constant 0 : i32
      %dma_wait3A_132 = tpu.memref_slice %arg2[%dma_wait3A_130, %dma_wait3A_131] : memref<10000x128xf32, #tpu.memory_space<hbm>> -> memref<10000x128xf32, #tpu.memory_space<hbm>>
      tpu.wait_indirect_dma semaphore(%arg12 : memref<!tpu.dma_semaphore, #tpu.memory_space<semaphore_mem>>) src(%dma_wait3A_132 : memref<10000x128xf32, #tpu.memory_space<hbm>>) dst(%arg9 : memref<128x128xf32, #tpu.memory_space<vmem>>)
      %jit3A_133 = arith.constant 16 : i32
      %div3A_134 = arith.divsi %mul3A_21, %jit3A_133 : i32
      %sign3A_135 = arith.constant 0 : i32
      %sign3A_136 = arith.cmpi sgt, %mul3A_21, %sign3A_135 : i32
      %sign3A_137 = arith.extui %sign3A_136 : i1 to i32
      %sign3A_138 = arith.constant 0 : i32
      %sign3A_139 = arith.cmpi slt, %mul3A_21, %sign3A_138 : i32
      %sign3A_140 = arith.extui %sign3A_139 : i1 to i32
      %sign3A_141 = arith.subi %sign3A_137, %sign3A_140 : i32
      %sign3A_142 = arith.constant 0 : i32
      %sign3A_143 = arith.cmpi sgt, %jit3A_133, %sign3A_142 : i32
      %sign3A_144 = arith.extui %sign3A_143 : i1 to i32
      %sign3A_145 = arith.constant 0 : i32
      %sign3A_146 = arith.cmpi slt, %jit3A_133, %sign3A_145 : i32
      %sign3A_147 = arith.extui %sign3A_146 : i1 to i32
      %sign3A_148 = arith.subi %sign3A_144, %sign3A_147 : i32
      %ne3A_149 = arith.cmpi ne, %sign3A_141, %sign3A_148 : i32
      %rem3A_150 = arith.remsi %mul3A_21, %jit3A_133 : i32
      %ne3A_151 = arith.constant 0 : i32
      %ne3A_152 = arith.cmpi ne, %rem3A_150, %ne3A_151 : i32
      %and3A_153 = arith.andi %ne3A_149, %ne3A_152 : i1
      %sub3A_154 = arith.constant 1 : i32
      %sub3A_155 = arith.subi %div3A_134, %sub3A_154 : i32
      %select_n3A_156 = arith.select %and3A_153, %sub3A_155, %div3A_134 : i32
      %jit3A_157 = arith.constant 2 : i32
      %eq3A_158 = arith.constant 0 : i32
      %eq3A_159 = arith.cmpi eq, %jit3A_157, %eq3A_158 : i32
      %jit3A_160 = arith.constant 1 : i32
      %select_n3A_161 = arith.select %eq3A_159, %jit3A_160, %jit3A_157 : i32
      %rem3A_162 = arith.remsi %select_n3A_156, %select_n3A_161 : i32
      %ne3A_163 = arith.constant 0 : i32
      %ne3A_164 = arith.cmpi ne, %rem3A_162, %ne3A_163 : i32
      %lt3A_165 = arith.constant 0 : i32
      %lt3A_166 = arith.cmpi slt, %rem3A_162, %lt3A_165 : i32
      %lt3A_167 = arith.constant 0 : i32
      %lt3A_168 = arith.cmpi slt, %select_n3A_161, %lt3A_167 : i32
      %ne3A_169 = arith.xori %lt3A_166, %lt3A_168 : i1
      %and3A_170 = arith.andi %ne3A_169, %ne3A_164 : i1
      %add3A_171 = arith.addi %rem3A_162, %select_n3A_161 : i32
      %select_n3A_172 = arith.select %and3A_170, %add3A_171, %rem3A_162 : i32
      %jit3A_173 = arith.constant 16 : i32
      %eq3A_174 = arith.constant 0 : i32
      %eq3A_175 = arith.cmpi eq, %jit3A_173, %eq3A_174 : i32
      %jit3A_176 = arith.constant 1 : i32
      %select_n3A_177 = arith.select %eq3A_175, %jit3A_176, %jit3A_173 : i32
      %rem3A_178 = arith.remsi %mul3A_21, %select_n3A_177 : i32
      %ne3A_179 = arith.constant 0 : i32
      %ne3A_180 = arith.cmpi ne, %rem3A_178, %ne3A_179 : i32
      %lt3A_181 = arith.constant 0 : i32
      %lt3A_182 = arith.cmpi slt, %rem3A_178, %lt3A_181 : i32
      %lt3A_183 = arith.constant 0 : i32
      %lt3A_184 = arith.cmpi slt, %select_n3A_177, %lt3A_183 : i32
      %ne3A_185 = arith.xori %lt3A_182, %lt3A_184 : i1
      %and3A_186 = arith.andi %ne3A_185, %ne3A_180 : i1
      %add3A_187 = arith.addi %rem3A_178, %select_n3A_177 : i32
      %select_n3A_188 = arith.select %and3A_186, %add3A_187, %rem3A_178 : i32
      "tpu.region"() ({
        %run_scoped3A_260 = tpu.sem_alloc : memref<!tpu.dma_semaphore, #tpu.memory_space<semaphore_mem>>
        %dma_start3A_261 = arith.constant 0 : i32
        %dma_start3A_262 = tpu.memref_slice %arg8[%select_n3A_172, %select_n3A_188, %dma_start3A_261] : memref<2x16x128xi32, #tpu.memory_space<vmem>> -> memref<1x1x128xi32, #tpu.memory_space<vmem>>
        %dma_start3A_263 = tpu.memref_squeeze %dma_start3A_262 : memref<1x1x128xi32, #tpu.memory_space<vmem>> -> memref<128xi32, #tpu.memory_space<vmem>>
        %dma_start3A_264 = arith.constant 0 : i32
        %dma_start3A_265 = arith.constant 0 : i32
        %dma_start3A_266 = tpu.memref_slice %arg11[%dma_start3A_264, %dma_start3A_265] : memref<10112x128xf32, #tpu.memory_space<vmem_shared>> -> memref<10112x128xf32, #tpu.memory_space<vmem_shared>>
        tpu.enqueue_indirect_dma source(%arg9 : memref<128x128xf32, #tpu.memory_space<vmem>>) target(%dma_start3A_266 : memref<10112x128xf32, #tpu.memory_space<vmem_shared>>) offsets(%dma_start3A_263 : memref<128xi32, #tpu.memory_space<vmem>>) semaphore(%run_scoped3A_260 : memref<!tpu.dma_semaphore, #tpu.memory_space<semaphore_mem>>) {add = true}
        %dma_wait3A_267 = arith.constant 0 : i32
        %dma_wait3A_268 = tpu.memref_slice %arg8[%select_n3A_172, %select_n3A_188, %dma_wait3A_267] : memref<2x16x128xi32, #tpu.memory_space<vmem>> -> memref<1x1x128xi32, #tpu.memory_space<vmem>>
        %dma_wait3A_269 = tpu.memref_squeeze %dma_wait3A_268 : memref<1x1x128xi32, #tpu.memory_space<vmem>> -> memref<128xi32, #tpu.memory_space<vmem>>
        %dma_wait3A_270 = arith.constant 0 : i32
        %dma_wait3A_271 = arith.constant 0 : i32
        %dma_wait3A_272 = tpu.memref_slice %arg11[%dma_wait3A_270, %dma_wait3A_271] : memref<10112x128xf32, #tpu.memory_space<vmem_shared>> -> memref<10112x128xf32, #tpu.memory_space<vmem_shared>>
        tpu.wait_indirect_dma semaphore(%run_scoped3A_260 : memref<!tpu.dma_semaphore, #tpu.memory_space<semaphore_mem>>) src(%arg9 : memref<128x128xf32, #tpu.memory_space<vmem>>) dst(%dma_wait3A_272 : memref<10112x128xf32, #tpu.memory_space<vmem_shared>>)
        tpu.yield
      }) : () -> ()
      %lt3A_189 = arith.constant 39 : i32
      %lt3A_190 = arith.cmpi slt, %scan3A_19, %lt3A_189 : i32
      %convert_element_type3A_191 = arith.extui %lt3A_190 : i1 to i32
      %cond3A_192 = arith.constant 0 : i32
      %cond3A_193 = arith.cmpi ne, %convert_element_type3A_191, %cond3A_192 : i32
      scf.if %cond3A_193 {
        %add3A_260 = arith.constant 2 : i32
        %add3A_261 = arith.addi %mul3A_21, %add3A_260 : i32
        %jit3A_262 = arith.constant 16 : i32
        %div3A_263 = arith.divsi %add3A_261, %jit3A_262 : i32
        %sign3A_264 = arith.constant 0 : i32
        %sign3A_265 = arith.cmpi sgt, %add3A_261, %sign3A_264 : i32
        %sign3A_266 = arith.extui %sign3A_265 : i1 to i32
        %sign3A_267 = arith.constant 0 : i32
        %sign3A_268 = arith.cmpi slt, %add3A_261, %sign3A_267 : i32
        %sign3A_269 = arith.extui %sign3A_268 : i1 to i32
        %sign3A_270 = arith.subi %sign3A_266, %sign3A_269 : i32
        %sign3A_271 = arith.constant 0 : i32
        %sign3A_272 = arith.cmpi sgt, %jit3A_262, %sign3A_271 : i32
        %sign3A_273 = arith.extui %sign3A_272 : i1 to i32
        %sign3A_274 = arith.constant 0 : i32
        %sign3A_275 = arith.cmpi slt, %jit3A_262, %sign3A_274 : i32
        %sign3A_276 = arith.extui %sign3A_275 : i1 to i32
        %sign3A_277 = arith.subi %sign3A_273, %sign3A_276 : i32
        %ne3A_278 = arith.cmpi ne, %sign3A_270, %sign3A_277 : i32
        %rem3A_279 = arith.remsi %add3A_261, %jit3A_262 : i32
        %ne3A_280 = arith.constant 0 : i32
        %ne3A_281 = arith.cmpi ne, %rem3A_279, %ne3A_280 : i32
        %and3A_282 = arith.andi %ne3A_278, %ne3A_281 : i1
        %sub3A_283 = arith.constant 1 : i32
        %sub3A_284 = arith.subi %div3A_263, %sub3A_283 : i32
        %select_n3A_285 = arith.select %and3A_282, %sub3A_284, %div3A_263 : i32
        %jit3A_286 = arith.constant 2 : i32
        %eq3A_287 = arith.constant 0 : i32
        %eq3A_288 = arith.cmpi eq, %jit3A_286, %eq3A_287 : i32
        %jit3A_289 = arith.constant 1 : i32
        %select_n3A_290 = arith.select %eq3A_288, %jit3A_289, %jit3A_286 : i32
        %rem3A_291 = arith.remsi %select_n3A_285, %select_n3A_290 : i32
        %ne3A_292 = arith.constant 0 : i32
        %ne3A_293 = arith.cmpi ne, %rem3A_291, %ne3A_292 : i32
        %lt3A_294 = arith.constant 0 : i32
        %lt3A_295 = arith.cmpi slt, %rem3A_291, %lt3A_294 : i32
        %lt3A_296 = arith.constant 0 : i32
        %lt3A_297 = arith.cmpi slt, %select_n3A_290, %lt3A_296 : i32
        %ne3A_298 = arith.xori %lt3A_295, %lt3A_297 : i1
        %and3A_299 = arith.andi %ne3A_298, %ne3A_293 : i1
        %add3A_300 = arith.addi %rem3A_291, %select_n3A_290 : i32
        %select_n3A_301 = arith.select %and3A_299, %add3A_300, %rem3A_291 : i32
        %jit3A_302 = arith.constant 16 : i32
        %eq3A_303 = arith.constant 0 : i32
        %eq3A_304 = arith.cmpi eq, %jit3A_302, %eq3A_303 : i32
        %jit3A_305 = arith.constant 1 : i32
        %select_n3A_306 = arith.select %eq3A_304, %jit3A_305, %jit3A_302 : i32
        %rem3A_307 = arith.remsi %add3A_261, %select_n3A_306 : i32
        %ne3A_308 = arith.constant 0 : i32
        %ne3A_309 = arith.cmpi ne, %rem3A_307, %ne3A_308 : i32
        %lt3A_310 = arith.constant 0 : i32
        %lt3A_311 = arith.cmpi slt, %rem3A_307, %lt3A_310 : i32
        %lt3A_312 = arith.constant 0 : i32
        %lt3A_313 = arith.cmpi slt, %select_n3A_306, %lt3A_312 : i32
        %ne3A_314 = arith.xori %lt3A_311, %lt3A_313 : i1
        %and3A_315 = arith.andi %ne3A_314, %ne3A_309 : i1
        %add3A_316 = arith.addi %rem3A_307, %select_n3A_306 : i32
        %select_n3A_317 = arith.select %and3A_315, %add3A_316, %rem3A_307 : i32
        %dma_start3A_318 = arith.constant 0 : i32
        %dma_start3A_319 = tpu.memref_slice %arg7[%select_n3A_301, %select_n3A_317, %dma_start3A_318] : memref<2x16x128xi32, #tpu.memory_space<vmem>> -> memref<1x1x128xi32, #tpu.memory_space<vmem>>
        %dma_start3A_320 = tpu.memref_squeeze %dma_start3A_319 : memref<1x1x128xi32, #tpu.memory_space<vmem>> -> memref<128xi32, #tpu.memory_space<vmem>>
        %dma_start3A_321 = arith.constant 0 : i32
        %dma_start3A_322 = arith.constant 0 : i32
        %dma_start3A_323 = tpu.memref_slice %arg2[%dma_start3A_321, %dma_start3A_322] : memref<10000x128xf32, #tpu.memory_space<hbm>> -> memref<10000x128xf32, #tpu.memory_space<hbm>>
        tpu.enqueue_indirect_dma source(%dma_start3A_323 : memref<10000x128xf32, #tpu.memory_space<hbm>>) target(%arg9 : memref<128x128xf32, #tpu.memory_space<vmem>>) offsets(%dma_start3A_320 : memref<128xi32, #tpu.memory_space<vmem>>) semaphore(%arg12 : memref<!tpu.dma_semaphore, #tpu.memory_space<semaphore_mem>>)
      } else {
      }
      %dma_wait3A_194 = arith.constant 0 : i32
      %dma_wait3A_195 = arith.constant 0 : i32
      %dma_wait3A_196 = arith.constant 0 : i32
      %dma_wait3A_197 = tpu.memref_slice %arg7[%dma_wait3A_194, %dma_wait3A_195, %dma_wait3A_196] : memref<2x16x128xi32, #tpu.memory_space<vmem>> -> memref<1x1x128xi32, #tpu.memory_space<vmem>>
      %dma_wait3A_198 = tpu.memref_squeeze %dma_wait3A_197 : memref<1x1x128xi32, #tpu.memory_space<vmem>> -> memref<128xi32, #tpu.memory_space<vmem>>
      %dma_wait3A_199 = arith.constant 0 : i32
      %dma_wait3A_200 = arith.constant 0 : i32
      %dma_wait3A_201 = tpu.memref_slice %arg2[%dma_wait3A_199, %dma_wait3A_200] : memref<10000x128xf32, #tpu.memory_space<hbm>> -> memref<10000x128xf32, #tpu.memory_space<hbm>>
      tpu.wait_indirect_dma semaphore(%arg13 : memref<!tpu.dma_semaphore, #tpu.memory_space<semaphore_mem>>) src(%dma_wait3A_201 : memref<10000x128xf32, #tpu.memory_space<hbm>>) dst(%arg10 : memref<128x128xf32, #tpu.memory_space<vmem>>)
      %add3A_202 = arith.constant 1 : i32
      %add3A_203 = arith.addi %mul3A_21, %add3A_202 : i32
      %jit3A_204 = arith.constant 16 : i32
      %div3A_205 = arith.divsi %add3A_203, %jit3A_204 : i32
      %sign3A_206 = arith.constant 0 : i32
      %sign3A_207 = arith.cmpi sgt, %add3A_203, %sign3A_206 : i32
      %sign3A_208 = arith.extui %sign3A_207 : i1 to i32
      %sign3A_209 = arith.constant 0 : i32
      %sign3A_210 = arith.cmpi slt, %add3A_203, %sign3A_209 : i32
      %sign3A_211 = arith.extui %sign3A_210 : i1 to i32
      %sign3A_212 = arith.subi %sign3A_208, %sign3A_211 : i32
      %sign3A_213 = arith.constant 0 : i32
      %sign3A_214 = arith.cmpi sgt, %jit3A_204, %sign3A_213 : i32
      %sign3A_215 = arith.extui %sign3A_214 : i1 to i32
      %sign3A_216 = arith.constant 0 : i32
      %sign3A_217 = arith.cmpi slt, %jit3A_204, %sign3A_216 : i32
      %sign3A_218 = arith.extui %sign3A_217 : i1 to i32
      %sign3A_219 = arith.subi %sign3A_215, %sign3A_218 : i32
      %ne3A_220 = arith.cmpi ne, %sign3A_212, %sign3A_219 : i32
      %rem3A_221 = arith.remsi %add3A_203, %jit3A_204 : i32
      %ne3A_222 = arith.constant 0 : i32
      %ne3A_223 = arith.cmpi ne, %rem3A_221, %ne3A_222 : i32
      %and3A_224 = arith.andi %ne3A_220, %ne3A_223 : i1
      %sub3A_225 = arith.constant 1 : i32
      %sub3A_226 = arith.subi %div3A_205, %sub3A_225 : i32
      %select_n3A_227 = arith.select %and3A_224, %sub3A_226, %div3A_205 : i32
      %jit3A_228 = arith.constant 2 : i32
      %eq3A_229 = arith.constant 0 : i32
      %eq3A_230 = arith.cmpi eq, %jit3A_228, %eq3A_229 : i32
      %jit3A_231 = arith.constant 1 : i32
      %select_n3A_232 = arith.select %eq3A_230, %jit3A_231, %jit3A_228 : i32
      %rem3A_233 = arith.remsi %select_n3A_227, %select_n3A_232 : i32
      %ne3A_234 = arith.constant 0 : i32
      %ne3A_235 = arith.cmpi ne, %rem3A_233, %ne3A_234 : i32
      %lt3A_236 = arith.constant 0 : i32
      %lt3A_237 = arith.cmpi slt, %rem3A_233, %lt3A_236 : i32
      %lt3A_238 = arith.constant 0 : i32
      %lt3A_239 = arith.cmpi slt, %select_n3A_232, %lt3A_238 : i32
      %ne3A_240 = arith.xori %lt3A_237, %lt3A_239 : i1
      %and3A_241 = arith.andi %ne3A_240, %ne3A_235 : i1
      %add3A_242 = arith.addi %rem3A_233, %select_n3A_232 : i32
      %select_n3A_243 = arith.select %and3A_241, %add3A_242, %rem3A_233 : i32
      %jit3A_244 = arith.constant 16 : i32
      %eq3A_245 = arith.constant 0 : i32
      %eq3A_246 = arith.cmpi eq, %jit3A_244, %eq3A_245 : i32
      %jit3A_247 = arith.constant 1 : i32
      %select_n3A_248 = arith.select %eq3A_246, %jit3A_247, %jit3A_244 : i32
      %rem3A_249 = arith.remsi %add3A_203, %select_n3A_248 : i32
      %ne3A_250 = arith.constant 0 : i32
      %ne3A_251 = arith.cmpi ne, %rem3A_249, %ne3A_250 : i32
      %lt3A_252 = arith.constant 0 : i32
      %lt3A_253 = arith.cmpi slt, %rem3A_249, %lt3A_252 : i32
      %lt3A_254 = arith.constant 0 : i32
      %lt3A_255 = arith.cmpi slt, %select_n3A_248, %lt3A_254 : i32
      %ne3A_256 = arith.xori %lt3A_253, %lt3A_255 : i1
      %and3A_257 = arith.andi %ne3A_256, %ne3A_251 : i1
      %add3A_258 = arith.addi %rem3A_249, %select_n3A_248 : i32
      %select_n3A_259 = arith.select %and3A_257, %add3A_258, %rem3A_249 : i32
      "tpu.region"() ({
        %run_scoped3A_260 = tpu.sem_alloc : memref<!tpu.dma_semaphore, #tpu.memory_space<semaphore_mem>>
        %dma_start3A_261 = arith.constant 0 : i32
        %dma_start3A_262 = tpu.memref_slice %arg8[%select_n3A_243, %select_n3A_259, %dma_start3A_261] : memref<2x16x128xi32, #tpu.memory_space<vmem>> -> memref<1x1x128xi32, #tpu.memory_space<vmem>>
        %dma_start3A_263 = tpu.memref_squeeze %dma_start3A_262 : memref<1x1x128xi32, #tpu.memory_space<vmem>> -> memref<128xi32, #tpu.memory_space<vmem>>
        %dma_start3A_264 = arith.constant 0 : i32
        %dma_start3A_265 = arith.constant 0 : i32
        %dma_start3A_266 = tpu.memref_slice %arg11[%dma_start3A_264, %dma_start3A_265] : memref<10112x128xf32, #tpu.memory_space<vmem_shared>> -> memref<10112x128xf32, #tpu.memory_space<vmem_shared>>
        tpu.enqueue_indirect_dma source(%arg10 : memref<128x128xf32, #tpu.memory_space<vmem>>) target(%dma_start3A_266 : memref<10112x128xf32, #tpu.memory_space<vmem_shared>>) offsets(%dma_start3A_263 : memref<128xi32, #tpu.memory_space<vmem>>) semaphore(%run_scoped3A_260 : memref<!tpu.dma_semaphore, #tpu.memory_space<semaphore_mem>>) {add = true}
        %dma_wait3A_267 = arith.constant 0 : i32
        %dma_wait3A_268 = tpu.memref_slice %arg8[%select_n3A_243, %select_n3A_259, %dma_wait3A_267] : memref<2x16x128xi32, #tpu.memory_space<vmem>> -> memref<1x1x128xi32, #tpu.memory_space<vmem>>
        %dma_wait3A_269 = tpu.memref_squeeze %dma_wait3A_268 : memref<1x1x128xi32, #tpu.memory_space<vmem>> -> memref<128xi32, #tpu.memory_space<vmem>>
        %dma_wait3A_270 = arith.constant 0 : i32
        %dma_wait3A_271 = arith.constant 0 : i32
        %dma_wait3A_272 = tpu.memref_slice %arg11[%dma_wait3A_270, %dma_wait3A_271] : memref<10112x128xf32, #tpu.memory_space<vmem_shared>> -> memref<10112x128xf32, #tpu.memory_space<vmem_shared>>
        tpu.wait_indirect_dma semaphore(%run_scoped3A_260 : memref<!tpu.dma_semaphore, #tpu.memory_space<semaphore_mem>>) src(%arg10 : memref<128x128xf32, #tpu.memory_space<vmem>>) dst(%dma_wait3A_272 : memref<10112x128xf32, #tpu.memory_space<vmem_shared>>)
        tpu.yield
      }) : () -> ()
    }
    %scan3A_17 = arith.constant 40 : i32
    %barrier3A_18 = arith.constant 0 : index
    tpu.barrier barrier_id(%barrier3A_18)
    "tpu.region"() ({
      %run_scoped3A_19 = tpu.sem_alloc : memref<!tpu.dma_semaphore, #tpu.memory_space<semaphore_mem>>
      %dma_start3A_20 = arith.constant 0 : i32
      %dma_start3A_21 = tpu.memref_slice %arg6[%arg0, %mul3A_2, %dma_start3A_20] : memref<2x10112x128xf32, #tpu.memory_space<hbm>> -> memref<1x632x128xf32, #tpu.memory_space<hbm>>
      %dma_start3A_22 = tpu.memref_squeeze %dma_start3A_21 : memref<1x632x128xf32, #tpu.memory_space<hbm>> -> memref<632x128xf32, #tpu.memory_space<hbm>>
      %dma_start3A_23 = arith.constant 0 : i32
      %dma_start3A_24 = tpu.memref_slice %arg11[%mul3A_2, %dma_start3A_23] : memref<10112x128xf32, #tpu.memory_space<vmem_shared>> -> memref<632x128xf32, #tpu.memory_space<vmem_shared>>
      tpu.enqueue_dma source(%dma_start3A_24 : memref<632x128xf32, #tpu.memory_space<vmem_shared>>) target(%dma_start3A_22 : memref<632x128xf32, #tpu.memory_space<hbm>>) target_semaphore(%run_scoped3A_19 : memref<!tpu.dma_semaphore, #tpu.memory_space<semaphore_mem>>)
      %dma_wait3A = arith.constant 0 : i32
      %dma_wait3A_25 = tpu.memref_slice %arg6[%arg0, %mul3A_2, %dma_wait3A] : memref<2x10112x128xf32, #tpu.memory_space<hbm>> -> memref<1x632x128xf32, #tpu.memory_space<hbm>>
      %dma_wait3A_26 = tpu.memref_squeeze %dma_wait3A_25 : memref<1x632x128xf32, #tpu.memory_space<hbm>> -> memref<632x128xf32, #tpu.memory_space<hbm>>
      %dma_wait3A_27 = arith.constant 0 : i32
      %dma_wait3A_28 = tpu.memref_slice %arg11[%mul3A_2, %dma_wait3A_27] : memref<10112x128xf32, #tpu.memory_space<vmem_shared>> -> memref<632x128xf32, #tpu.memory_space<vmem_shared>>
      tpu.wait_dma2 semaphore(%run_scoped3A_19 : memref<!tpu.dma_semaphore, #tpu.memory_space<semaphore_mem>>) src(%dma_wait3A_28 : memref<632x128xf32, #tpu.memory_space<vmem_shared>>) dst(%dma_wait3A_26 : memref<632x128xf32, #tpu.memory_space<hbm>>)
      tpu.yield
    }) : () -> ()
    return
  }
}

module attributes {stable_mosaic.version = 14 : i64} {
  func.func @_tc_transform_body(%arg0: i32, %arg1: memref<2000x128xf32, #tpu.memory_space<vmem>>, %arg2: memref<2000x8xf32, #tpu.memory_space<vmem>>, %arg3: memref<7x128x128xf32, #tpu.memory_space<vmem>>, %arg4: memref<2000x32xf32, #tpu.memory_space<vmem>>, %arg5: memref<2000x32xf32, #tpu.memory_space<vmem>>, %arg6: memref<2000x128xf32, #tpu.memory_space<vmem>>) attributes {dimension_semantics = [#tpu.dimension_semantics<arbitrary>], iteration_bounds = array<i64: 5>, scalar_prefetch = 0 : i64, scratch_operands = 0 : i64, tpu.core_type = #tpu.core_type<tc>, window_params = [{transform_indices = @transform_0, window_bounds = array<i64: 2000, 128>}, {transform_indices = @transform_1, window_bounds = array<i64: 2000, 8>}, {pipeline_mode = #tpu.pipeline_mode<synchronous>, transform_indices = @transform_2, window_bounds = array<i64: 7, 128, 128>}, {transform_indices = @transform_3, window_bounds = array<i64: 2000, 32>}, {transform_indices = @transform_4, window_bounds = array<i64: 2000, 32>}, {transform_indices = @transform_5, window_bounds = array<i64: 2000, 128>}]} {
    %get3A = arith.constant 0 : index
    %get3A_0 = arith.constant 0 : index
    %get3A_1 = vector.load %arg1[%get3A, %get3A_0] : memref<2000x128xf32, #tpu.memory_space<vmem>>, vector<2000x128xf32>
    %get3A_2 = arith.constant 0 : index
    %get3A_3 = arith.constant 0 : index
    %get3A_4 = vector.load %arg2[%get3A_2, %get3A_3] : memref<2000x8xf32, #tpu.memory_space<vmem>>, vector<2000x8xf32>
    %convert_element_type3A = arith.truncf %get3A_1 : vector<2000x128xf32> to vector<2000x128xbf16>
    %get3A_5 = arith.constant 0 : index
    %get3A_6 = arith.constant 0 : index
    %get3A_7 = arith.constant 0 : index
    %get3A_8 = vector.load %arg3[%get3A_5, %get3A_6, %get3A_7] : memref<7x128x128xf32, #tpu.memory_space<vmem>>, vector<1x128x128xf32>
    %get3A_9 = vector.shape_cast %get3A_8 : vector<1x128x128xf32> to vector<128x128xf32>
    %convert_element_type3A_10 = arith.truncf %get3A_9 : vector<128x128xf32> to vector<128x128xbf16>
    %dot_general3A = arith.constant dense<0.000000e+00> : vector<2000x128xf32>
    %dot_general3A_11 = tpu.matmul %convert_element_type3A, %convert_element_type3A_10, %dot_general3A {dimension_numbers = #tpu.dot_dimension_numbers<[1], [0], [0], [1], [0, 0, 1, 1], [], []>, transpose_lhs_hint = false} : vector<2000x128xbf16>, vector<128x128xbf16>, vector<2000x128xf32> -> vector<2000x128xf32>
    %slice3A = vector.extract_strided_slice %get3A_4 {offsets = [0, 1], sizes = [2000, 1], strides = [1, 1]} : vector<2000x8xf32> to vector<2000x1xf32>
    %mul3A = vector.broadcast %slice3A : vector<2000x1xf32> to vector<2000x128xf32>
    %mul3A_12 = arith.mulf %dot_general3A_11, %mul3A : vector<2000x128xf32>
    %add3A = arith.addf %get3A_1, %mul3A_12 : vector<2000x128xf32>
    %get3A_13 = arith.constant 1 : index
    %get3A_14 = arith.constant 0 : index
    %get3A_15 = arith.constant 0 : index
    %get3A_16 = vector.load %arg3[%get3A_13, %get3A_14, %get3A_15] : memref<7x128x128xf32, #tpu.memory_space<vmem>>, vector<1x128x128xf32>
    %get3A_17 = vector.shape_cast %get3A_16 : vector<1x128x128xf32> to vector<128x128xf32>
    %convert_element_type3A_18 = arith.truncf %get3A_17 : vector<128x128xf32> to vector<128x128xbf16>
    %dot_general3A_19 = arith.constant dense<0.000000e+00> : vector<2000x128xf32>
    %dot_general3A_20 = tpu.matmul %convert_element_type3A, %convert_element_type3A_18, %dot_general3A_19 {dimension_numbers = #tpu.dot_dimension_numbers<[1], [0], [0], [1], [0, 0, 1, 1], [], []>, transpose_lhs_hint = false} : vector<2000x128xbf16>, vector<128x128xbf16>, vector<2000x128xf32> -> vector<2000x128xf32>
    %slice3A_21 = vector.extract_strided_slice %get3A_4 {offsets = [0, 2], sizes = [2000, 1], strides = [1, 1]} : vector<2000x8xf32> to vector<2000x1xf32>
    %mul3A_22 = vector.broadcast %slice3A_21 : vector<2000x1xf32> to vector<2000x128xf32>
    %mul3A_23 = arith.mulf %dot_general3A_20, %mul3A_22 : vector<2000x128xf32>
    %add3A_24 = arith.addf %add3A, %mul3A_23 : vector<2000x128xf32>
    %get3A_25 = arith.constant 2 : index
    %get3A_26 = arith.constant 0 : index
    %get3A_27 = arith.constant 0 : index
    %get3A_28 = vector.load %arg3[%get3A_25, %get3A_26, %get3A_27] : memref<7x128x128xf32, #tpu.memory_space<vmem>>, vector<1x128x128xf32>
    %get3A_29 = vector.shape_cast %get3A_28 : vector<1x128x128xf32> to vector<128x128xf32>
    %convert_element_type3A_30 = arith.truncf %get3A_29 : vector<128x128xf32> to vector<128x128xbf16>
    %dot_general3A_31 = arith.constant dense<0.000000e+00> : vector<2000x128xf32>
    %dot_general3A_32 = tpu.matmul %convert_element_type3A, %convert_element_type3A_30, %dot_general3A_31 {dimension_numbers = #tpu.dot_dimension_numbers<[1], [0], [0], [1], [0, 0, 1, 1], [], []>, transpose_lhs_hint = false} : vector<2000x128xbf16>, vector<128x128xbf16>, vector<2000x128xf32> -> vector<2000x128xf32>
    %slice3A_33 = vector.extract_strided_slice %get3A_4 {offsets = [0, 3], sizes = [2000, 1], strides = [1, 1]} : vector<2000x8xf32> to vector<2000x1xf32>
    %mul3A_34 = vector.broadcast %slice3A_33 : vector<2000x1xf32> to vector<2000x128xf32>
    %mul3A_35 = arith.mulf %dot_general3A_32, %mul3A_34 : vector<2000x128xf32>
    %add3A_36 = arith.addf %add3A_24, %mul3A_35 : vector<2000x128xf32>
    %get3A_37 = arith.constant 3 : index
    %get3A_38 = arith.constant 0 : index
    %get3A_39 = arith.constant 0 : index
    %get3A_40 = vector.load %arg3[%get3A_37, %get3A_38, %get3A_39] : memref<7x128x128xf32, #tpu.memory_space<vmem>>, vector<1x128x128xf32>
    %get3A_41 = vector.shape_cast %get3A_40 : vector<1x128x128xf32> to vector<128x128xf32>
    %convert_element_type3A_42 = arith.truncf %get3A_41 : vector<128x128xf32> to vector<128x128xbf16>
    %dot_general3A_43 = arith.constant dense<0.000000e+00> : vector<2000x128xf32>
    %dot_general3A_44 = tpu.matmul %convert_element_type3A, %convert_element_type3A_42, %dot_general3A_43 {dimension_numbers = #tpu.dot_dimension_numbers<[1], [0], [0], [1], [0, 0, 1, 1], [], []>, transpose_lhs_hint = false} : vector<2000x128xbf16>, vector<128x128xbf16>, vector<2000x128xf32> -> vector<2000x128xf32>
    %slice3A_45 = vector.extract_strided_slice %get3A_4 {offsets = [0, 4], sizes = [2000, 1], strides = [1, 1]} : vector<2000x8xf32> to vector<2000x1xf32>
    %mul3A_46 = vector.broadcast %slice3A_45 : vector<2000x1xf32> to vector<2000x128xf32>
    %mul3A_47 = arith.mulf %dot_general3A_44, %mul3A_46 : vector<2000x128xf32>
    %add3A_48 = arith.addf %add3A_36, %mul3A_47 : vector<2000x128xf32>
    %get3A_49 = arith.constant 4 : index
    %get3A_50 = arith.constant 0 : index
    %get3A_51 = arith.constant 0 : index
    %get3A_52 = vector.load %arg3[%get3A_49, %get3A_50, %get3A_51] : memref<7x128x128xf32, #tpu.memory_space<vmem>>, vector<1x128x128xf32>
    %get3A_53 = vector.shape_cast %get3A_52 : vector<1x128x128xf32> to vector<128x128xf32>
    %convert_element_type3A_54 = arith.truncf %get3A_53 : vector<128x128xf32> to vector<128x128xbf16>
    %dot_general3A_55 = arith.constant dense<0.000000e+00> : vector<2000x128xf32>
    %dot_general3A_56 = tpu.matmul %convert_element_type3A, %convert_element_type3A_54, %dot_general3A_55 {dimension_numbers = #tpu.dot_dimension_numbers<[1], [0], [0], [1], [0, 0, 1, 1], [], []>, transpose_lhs_hint = false} : vector<2000x128xbf16>, vector<128x128xbf16>, vector<2000x128xf32> -> vector<2000x128xf32>
    %slice3A_57 = vector.extract_strided_slice %get3A_4 {offsets = [0, 5], sizes = [2000, 1], strides = [1, 1]} : vector<2000x8xf32> to vector<2000x1xf32>
    %mul3A_58 = vector.broadcast %slice3A_57 : vector<2000x1xf32> to vector<2000x128xf32>
    %mul3A_59 = arith.mulf %dot_general3A_56, %mul3A_58 : vector<2000x128xf32>
    %add3A_60 = arith.addf %add3A_48, %mul3A_59 : vector<2000x128xf32>
    %get3A_61 = arith.constant 5 : index
    %get3A_62 = arith.constant 0 : index
    %get3A_63 = arith.constant 0 : index
    %get3A_64 = vector.load %arg3[%get3A_61, %get3A_62, %get3A_63] : memref<7x128x128xf32, #tpu.memory_space<vmem>>, vector<1x128x128xf32>
    %get3A_65 = vector.shape_cast %get3A_64 : vector<1x128x128xf32> to vector<128x128xf32>
    %convert_element_type3A_66 = arith.truncf %get3A_65 : vector<128x128xf32> to vector<128x128xbf16>
    %dot_general3A_67 = arith.constant dense<0.000000e+00> : vector<2000x128xf32>
    %dot_general3A_68 = tpu.matmul %convert_element_type3A, %convert_element_type3A_66, %dot_general3A_67 {dimension_numbers = #tpu.dot_dimension_numbers<[1], [0], [0], [1], [0, 0, 1, 1], [], []>, transpose_lhs_hint = false} : vector<2000x128xbf16>, vector<128x128xbf16>, vector<2000x128xf32> -> vector<2000x128xf32>
    %slice3A_69 = vector.extract_strided_slice %get3A_4 {offsets = [0, 6], sizes = [2000, 1], strides = [1, 1]} : vector<2000x8xf32> to vector<2000x1xf32>
    %mul3A_70 = vector.broadcast %slice3A_69 : vector<2000x1xf32> to vector<2000x128xf32>
    %mul3A_71 = arith.mulf %dot_general3A_68, %mul3A_70 : vector<2000x128xf32>
    %add3A_72 = arith.addf %add3A_60, %mul3A_71 : vector<2000x128xf32>
    %get3A_73 = arith.constant 6 : index
    %get3A_74 = arith.constant 0 : index
    %get3A_75 = arith.constant 0 : index
    %get3A_76 = vector.load %arg3[%get3A_73, %get3A_74, %get3A_75] : memref<7x128x128xf32, #tpu.memory_space<vmem>>, vector<1x128x128xf32>
    %get3A_77 = vector.shape_cast %get3A_76 : vector<1x128x128xf32> to vector<128x128xf32>
    %convert_element_type3A_78 = arith.truncf %get3A_77 : vector<128x128xf32> to vector<128x128xbf16>
    %dot_general3A_79 = arith.constant dense<0.000000e+00> : vector<2000x128xf32>
    %dot_general3A_80 = tpu.matmul %convert_element_type3A, %convert_element_type3A_78, %dot_general3A_79 {dimension_numbers = #tpu.dot_dimension_numbers<[1], [0], [0], [1], [0, 0, 1, 1], [], []>, transpose_lhs_hint = false} : vector<2000x128xbf16>, vector<128x128xbf16>, vector<2000x128xf32> -> vector<2000x128xf32>
    %slice3A_81 = vector.extract_strided_slice %get3A_4 {offsets = [0, 7], sizes = [2000, 1], strides = [1, 1]} : vector<2000x8xf32> to vector<2000x1xf32>
    %mul3A_82 = vector.broadcast %slice3A_81 : vector<2000x1xf32> to vector<2000x128xf32>
    %mul3A_83 = arith.mulf %dot_general3A_80, %mul3A_82 : vector<2000x128xf32>
    %add3A_84 = arith.addf %add3A_72, %mul3A_83 : vector<2000x128xf32>
    %get3A_85 = arith.constant 0 : index
    %get3A_86 = arith.constant 0 : index
    %get3A_87 = vector.load %arg4[%get3A_85, %get3A_86] : memref<2000x32xf32, #tpu.memory_space<vmem>>, vector<2000x32xf32>
    %reduce_sum3A = arith.constant dense<0.000000e+00> : vector<2000xf32>
    %reduce_sum3A_88 = vector.multi_reduction <add>, %get3A_87, %reduce_sum3A [1] : vector<2000x32xf32> to vector<2000xf32>
    %get3A_89 = arith.constant 0 : index
    %get3A_90 = arith.constant 0 : index
    %get3A_91 = vector.load %arg5[%get3A_89, %get3A_90] : memref<2000x32xf32, #tpu.memory_space<vmem>>, vector<2000x32xf32>
    %reduce_sum3A_92 = arith.constant dense<0.000000e+00> : vector<2000xf32>
    %reduce_sum3A_93 = vector.multi_reduction <add>, %get3A_91, %reduce_sum3A_92 [1] : vector<2000x32xf32> to vector<2000xf32>
    %eq3A = arith.constant 0.000000e+00 : f32
    %eq3A_94 = vector.broadcast %eq3A : f32 to vector<2000xf32>
    %eq3A_95 = arith.cmpf oeq, %reduce_sum3A_93, %eq3A_94 : vector<2000xf32>
    %jit3A = arith.constant 1.000000e+00 : f32
    %jit3A_96 = arith.constant 0.000000e+00 : f32
    %broadcast_in_dim3A = vector.broadcast %jit3A : f32 to vector<2000xf32>
    %broadcast_in_dim3A_97 = vector.broadcast %jit3A_96 : f32 to vector<2000xf32>
    %select_n3A = arith.select %eq3A_95, %broadcast_in_dim3A, %broadcast_in_dim3A_97 : vector<2000xi1>, vector<2000xf32>
    %add3A_98 = arith.addf %reduce_sum3A_88, %select_n3A : vector<2000xf32>
    %rsqrt3A = math.rsqrt %add3A_98 : vector<2000xf32>
    %abs3A = math.absf %rsqrt3A : vector<2000xf32>
    %eq3A_99 = arith.constant 0x7F800000 : f32
    %eq3A_100 = vector.broadcast %eq3A_99 : f32 to vector<2000xf32>
    %eq3A_101 = arith.cmpf oeq, %abs3A, %eq3A_100 : vector<2000xf32>
    %jit3A_102 = arith.constant 0.000000e+00 : f32
    %broadcast_in_dim3A_103 = vector.broadcast %jit3A_102 : f32 to vector<2000xf32>
    %select_n3A_104 = arith.select %eq3A_101, %broadcast_in_dim3A_103, %rsqrt3A : vector<2000xi1>, vector<2000xf32>
    %broadcast_in_dim3A_105 = vector.shape_cast %select_n3A_104 : vector<2000xf32> to vector<2000x1xf32>
    %mul3A_106 = vector.broadcast %broadcast_in_dim3A_105 : vector<2000x1xf32> to vector<2000x128xf32>
    %mul3A_107 = arith.mulf %mul3A_106, %add3A_84 : vector<2000x128xf32>
    %swap3A = arith.constant 0 : index
    %swap3A_108 = arith.constant 0 : index
    %swap3A_109 = vector.load %arg6[%swap3A, %swap3A_108] : memref<2000x128xf32, #tpu.memory_space<vmem>>, vector<2000x128xf32>
    tpu.vector_store %arg6[%swap3A, %swap3A_108], %mul3A_107 {strides = array<i32>} : memref<2000x128xf32, #tpu.memory_space<vmem>>, vector<2000x128xf32>,
    return
  }
  func.func @transform_0(%arg0: i32) -> (i32, i32) {
    %c0_i32 = arith.constant 0 : i32
    %c0_i32_0 = arith.constant 0 : i32
    return %arg0, %c0_i32 : i32, i32
  }
  func.func @transform_1(%arg0: i32) -> (i32, i32) {
    %c0_i32 = arith.constant 0 : i32
    %c0_i32_0 = arith.constant 0 : i32
    return %arg0, %c0_i32 : i32, i32
  }
  func.func @transform_2(%arg0: i32) -> (i32, i32, i32) {
    %c0_i32 = arith.constant 0 : i32
    %c0_i32_0 = arith.constant 0 : i32
    %c0_i32_1 = arith.constant 0 : i32
    %c0_i32_2 = arith.constant 0 : i32
    return %c0_i32, %c0_i32_0, %c0_i32_1 : i32, i32, i32
  }
  func.func @transform_3(%arg0: i32) -> (i32, i32) {
    %c0_i32 = arith.constant 0 : i32
    %c0_i32_0 = arith.constant 0 : i32
    return %arg0, %c0_i32 : i32, i32
  }
  func.func @transform_4(%arg0: i32) -> (i32, i32) {
    %c0_i32 = arith.constant 0 : i32
    %c0_i32_0 = arith.constant 0 : i32
    return %arg0, %c0_i32 : i32, i32
  }
  func.func @transform_5(%arg0: i32) -> (i32, i32) {
    %c0_i32 = arith.constant 0 : i32
    %c0_i32_0 = arith.constant 0 : i32
    return %arg0, %c0_i32 : i32, i32
  }
}

module attributes {stable_mosaic.version = 14 : i64} {
  func.func @_tc_finish_body(%arg0: i32, %arg1: memref<2x2000x128xf32, #tpu.memory_space<vmem>>, %arg2: memref<2000x128xf32, #tpu.memory_space<vmem>>, %arg3: memref<2000x32xf32, #tpu.memory_space<vmem>>, %arg4: memref<2000x32xf32, #tpu.memory_space<vmem>>, %arg5: memref<2000x128xf32, #tpu.memory_space<vmem>>) attributes {dimension_semantics = [#tpu.dimension_semantics<arbitrary>], iteration_bounds = array<i64: 5>, scalar_prefetch = 0 : i64, scratch_operands = 0 : i64, tpu.core_type = #tpu.core_type<tc>, window_params = [{transform_indices = @transform_0, window_bounds = array<i64: 2, 2000, 128>}, {transform_indices = @transform_1, window_bounds = array<i64: 2000, 128>}, {transform_indices = @transform_2, window_bounds = array<i64: 2000, 32>}, {transform_indices = @transform_3, window_bounds = array<i64: 2000, 32>}, {transform_indices = @transform_4, window_bounds = array<i64: 2000, 128>}]} {
    %get3A = arith.constant 0 : index
    %get3A_0 = arith.constant 0 : index
    %get3A_1 = arith.constant 0 : index
    %get3A_2 = vector.load %arg1[%get3A, %get3A_0, %get3A_1] : memref<2x2000x128xf32, #tpu.memory_space<vmem>>, vector<1x2000x128xf32>
    %get3A_3 = vector.shape_cast %get3A_2 : vector<1x2000x128xf32> to vector<2000x128xf32>
    %get3A_4 = arith.constant 1 : index
    %get3A_5 = arith.constant 0 : index
    %get3A_6 = arith.constant 0 : index
    %get3A_7 = vector.load %arg1[%get3A_4, %get3A_5, %get3A_6] : memref<2x2000x128xf32, #tpu.memory_space<vmem>>, vector<1x2000x128xf32>
    %get3A_8 = vector.shape_cast %get3A_7 : vector<1x2000x128xf32> to vector<2000x128xf32>
    %add3A = arith.addf %get3A_3, %get3A_8 : vector<2000x128xf32>
    %get3A_9 = arith.constant 0 : index
    %get3A_10 = arith.constant 0 : index
    %get3A_11 = vector.load %arg3[%get3A_9, %get3A_10] : memref<2000x32xf32, #tpu.memory_space<vmem>>, vector<2000x32xf32>
    %reduce_sum3A = arith.constant dense<0.000000e+00> : vector<2000xf32>
    %reduce_sum3A_12 = vector.multi_reduction <add>, %get3A_11, %reduce_sum3A [1] : vector<2000x32xf32> to vector<2000xf32>
    %get3A_13 = arith.constant 0 : index
    %get3A_14 = arith.constant 0 : index
    %get3A_15 = vector.load %arg4[%get3A_13, %get3A_14] : memref<2000x32xf32, #tpu.memory_space<vmem>>, vector<2000x32xf32>
    %reduce_sum3A_16 = arith.constant dense<0.000000e+00> : vector<2000xf32>
    %reduce_sum3A_17 = vector.multi_reduction <add>, %get3A_15, %reduce_sum3A_16 [1] : vector<2000x32xf32> to vector<2000xf32>
    %eq3A = arith.constant 0.000000e+00 : f32
    %eq3A_18 = vector.broadcast %eq3A : f32 to vector<2000xf32>
    %eq3A_19 = arith.cmpf oeq, %reduce_sum3A_17, %eq3A_18 : vector<2000xf32>
    %jit3A = arith.constant 1.000000e+00 : f32
    %jit3A_20 = arith.constant 0.000000e+00 : f32
    %broadcast_in_dim3A = vector.broadcast %jit3A : f32 to vector<2000xf32>
    %broadcast_in_dim3A_21 = vector.broadcast %jit3A_20 : f32 to vector<2000xf32>
    %select_n3A = arith.select %eq3A_19, %broadcast_in_dim3A, %broadcast_in_dim3A_21 : vector<2000xi1>, vector<2000xf32>
    %add3A_22 = arith.addf %reduce_sum3A_12, %select_n3A : vector<2000xf32>
    %rsqrt3A = math.rsqrt %add3A_22 : vector<2000xf32>
    %abs3A = math.absf %rsqrt3A : vector<2000xf32>
    %eq3A_23 = arith.constant 0x7F800000 : f32
    %eq3A_24 = vector.broadcast %eq3A_23 : f32 to vector<2000xf32>
    %eq3A_25 = arith.cmpf oeq, %abs3A, %eq3A_24 : vector<2000xf32>
    %jit3A_26 = arith.constant 0.000000e+00 : f32
    %broadcast_in_dim3A_27 = vector.broadcast %jit3A_26 : f32 to vector<2000xf32>
    %select_n3A_28 = arith.select %eq3A_25, %broadcast_in_dim3A_27, %rsqrt3A : vector<2000xi1>, vector<2000xf32>
    %broadcast_in_dim3A_29 = vector.shape_cast %select_n3A_28 : vector<2000xf32> to vector<2000x1xf32>
    %broadcast_in_dim3A_30 = vector.shape_cast %select_n3A : vector<2000xf32> to vector<2000x1xf32>
    %get3A_31 = arith.constant 0 : index
    %get3A_32 = arith.constant 0 : index
    %get3A_33 = vector.load %arg2[%get3A_31, %get3A_32] : memref<2000x128xf32, #tpu.memory_space<vmem>>, vector<2000x128xf32>
    %mul3A = vector.broadcast %broadcast_in_dim3A_30 : vector<2000x1xf32> to vector<2000x128xf32>
    %mul3A_34 = arith.mulf %mul3A, %get3A_33 : vector<2000x128xf32>
    %add3A_35 = arith.addf %add3A, %mul3A_34 : vector<2000x128xf32>
    %mul3A_36 = vector.broadcast %broadcast_in_dim3A_29 : vector<2000x1xf32> to vector<2000x128xf32>
    %mul3A_37 = arith.mulf %mul3A_36, %add3A_35 : vector<2000x128xf32>
    %swap3A = arith.constant 0 : index
    %swap3A_38 = arith.constant 0 : index
    %swap3A_39 = vector.load %arg5[%swap3A, %swap3A_38] : memref<2000x128xf32, #tpu.memory_space<vmem>>, vector<2000x128xf32>
    tpu.vector_store %arg5[%swap3A, %swap3A_38], %mul3A_37 {strides = array<i32>} : memref<2000x128xf32, #tpu.memory_space<vmem>>, vector<2000x128xf32>,
    return
  }
  func.func @transform_0(%arg0: i32) -> (i32, i32, i32) {
    %c0_i32 = arith.constant 0 : i32
    %c0_i32_0 = arith.constant 0 : i32
    %c0_i32_1 = arith.constant 0 : i32
    return %c0_i32, %arg0, %c0_i32_0 : i32, i32, i32
  }
  func.func @transform_1(%arg0: i32) -> (i32, i32) {
    %c0_i32 = arith.constant 0 : i32
    %c0_i32_0 = arith.constant 0 : i32
    return %arg0, %c0_i32 : i32, i32
  }
  func.func @transform_2(%arg0: i32) -> (i32, i32) {
    %c0_i32 = arith.constant 0 : i32
    %c0_i32_0 = arith.constant 0 : i32
    return %arg0, %c0_i32 : i32, i32
  }
  func.func @transform_3(%arg0: i32) -> (i32, i32) {
    %c0_i32 = arith.constant 0 : i32
    %c0_i32_0 = arith.constant 0 : i32
    return %arg0, %c0_i32 : i32, i32
  }
  func.func @transform_4(%arg0: i32) -> (i32, i32) {
    %c0_i32 = arith.constant 0 : i32
    %c0_i32_0 = arith.constant 0 : i32
    return %arg0, %c0_i32 : i32, i32
  }
}

</mosaic_0001>

<sc_bundles>
// kernel: kernel.6.cloned.1.call-start
scs
__scs_entry_jumppad:
0x0: {  	(pc) =	sbr.rel $0x88, $3  }
0x1: {  	(tag) =	ssettag $0x0;
	lr =	simm.s32 $0x1  }
0x2: {  	[smem:$0x3F9D] =	sst lr;
	_ =	strace $0xD0000000  }
0x3: {  	_ = 	snop  }
0x4: {  	_ = 	snop  }
0x5: {  	_ = 	snop  }
0x6: {  	_ = 	snop  }
0x7: {  	_ = 	snop  }
__scs_overlays_trampoline_lowered:
0x8: {  	[smem:$0x3FAC] =	sst s0  }
0x9: {  	[smem:$0x3FAD] =	sst s1  }
0xa: {  	[smem:$0x3FAE] =	sst s2  }
0xb: {  	[smem:$0x3FAF] =	sst s3  }
0xc: {  	[smem:$0x3FB0] =	sst s4  }
0xd: {  	[smem:$0x3FB1] =	sst s5  }
0xe: {  	[smem:$0x3FB2] =	sst s6  }
0xf: {  	[smem:$0x3FB3] =	sst s7  }
0x10: {  	[smem:$0x3FB4] =	sst s8  }
0x11: {  	[smem:$0x3FB5] =	sst s9;
	s0 =	simm.s32 @!p0 $0x0  }
0x12: {  	s1 =	sld [smem:$0x3F9B];
	s0 =	simm.s32 @p0 $0x1  }
0x13: {  	[smem:$0x3FB6] =	sst s0;
	s0 =	simm.s32 @!p1 $0x0  }
0x14: {  	s2 =	sld [smem:$0x3F9A];
	s0 =	simm.s32 @p1 $0x1  }
0x15: {  	[smem:$0x3FB7] =	sst s0;
	s0 =	simm.s32 @!p2 $0x0  }
0x16: {  	s3 =	sld [smem:$0x3FDB];
	s0 =	simm.s32 @p2 $0x1  }
0x17: {  	s4 =	simm.s32 $0x1BF5;
	[smem:$0x3FB9] =	sst s0  }
0x18: {  	s0 =	sld [smem:$0x3F9C];
	_ =	swait.ge [sflag:s4], $0x0  }
0x19: {  	s7 =	sld [smem:$0x3F9D]  }
0x1a: {  	s8 =	sadd.s32 $0xFFFFE003, lr  }
0x1b: {  	s9 =	sadd.s32 $0xFFFFFEF7, lr;
	s5 =	simm.s32 $0xFFFFFFFF;
	p2 =	slt.u32 s8, $0xFFFFF086  }
0x1c: {  	p1 =	slt.u32 s9, $0xF7A;
	s5 =	simm.s32 @!p2 $0x0  }
0x1d: {  	s5 =	simm.s32 @p1 $0x1;
	p0 =	seq.s32 s7, s2  }
0x1e: {  	s7 =	smul.u32 @!p0 $0xF7A, s2;
	p2 =	seq.s32 @!p0 s5, $0x0  }
0x1f: {  	s9 =	smul.u32 $0xF7A, s1;
	s8 =	simm.s32 @!p0 $0x1BF5;
	p2 =	por !p2, p0  }
0x20: {  	[sflag:s8] =	ssyncset.s32 @!p0 $0xFFFFF086;
	s6 =	sadd.s32 @!p0 s3, s7;
	s7 =	simm.s32 @!p0 $0x108  }
0x21: {  	s3 =	sadd.s32 s3, s9;
	s6 =	sadd.s32 @!p0 $0x88, s6;
	s7 =	simm.s32 @p2 $0x1082  }
0x22: {  	[simem:s7], [sflag:s8] =	dma.local @!p0 [hbm:s6], $0xF7A  }
0x23: {  	s9 =	sor.u32 $0xD0000000, s2;
	s6 =	simm.s32 $0x108;
	_ =	swait.ge @!p0 [sflag:s8], $0x0  }
0x24: {  	s3 =	sadd.s32 $0x88, s3;
	s6 =	simm.s32 @!p1 $0x1082;
	[sflag:s4] =	ssyncset.s32 $0xFFFFF086  }
0x25: {  	[simem:s6], [sflag:s4] =	dma.local [hbm:s3], $0xF7A  }
0x26: {  	[smem:$0x3F9D] =	sst s1;
	(tag) =	ssettag s2;
	_ =	strace s9  }
0x27: {  	s1 =	sld [smem:$0x3FAD]  }
0x28: {  	s2 =	sld [smem:$0x3FAE]  }
0x29: {  	s4 =	sld [smem:$0x3FB0]  }
0x2a: {  	p0 =	seq.s32 s5, $0x0;
	s5 =	sld [smem:$0x3FB1]  }
0x2b: {  	s6 =	sld [smem:$0x3FB2]  }
0x2c: {  	s7 =	sld [smem:$0x3FB3]  }
0x2d: {  	s3 =	simm.s32 $0x108;
	s8 =	sld [smem:$0x3FB4]  }
0x2e: {  	s3 =	simm.s32 @!p0 $0x1082;
	s9 =	sld [smem:$0x3FB5]  }
0x2f: {  	lr =	sadd.s32 s0, s3;
	s0 =	sld [smem:$0x3FAC]  }
0x30: {  	s3 =	sld [smem:$0x3FAF]  }
0x31: {  	[smem:$0x3FB8] =	sst s10  }
0x32: {  	s10 =	sld [smem:$0x3FB6];
	_ =	sdelay $0x3  }
0x33: {  	p0 =	seq.s32 s10, $0x1;
	s10 =	sld [smem:$0x3FB8];
	_ =	sdelay $0x3  }
0x34: {  	[smem:$0x3FB8] =	sst s10  }
0x35: {  	s10 =	sld [smem:$0x3FB7];
	_ =	sdelay $0x3  }
0x36: {  	p1 =	seq.s32 s10, $0x1;
	s10 =	sld [smem:$0x3FB8];
	_ =	sdelay $0x3  }
0x37: {  	[smem:$0x3FB8] =	sst s10  }
0x38: {  	s10 =	sld [smem:$0x3FB9]  }
0x39: {  	_ = 	snop;
	(pc) =	sbr.ind lr, $3  }
0x3a: {  	_ = 	snop  }
0x3b: {  	_ = 	snop  }
0x3c: {  	p2 =	seq.s32 s10, $0x1;
	s10 =	sld [smem:$0x3FB8]  }
0x3d: {  	_ =	shalt  }
0x3e: {  	_ =	shalt  }
0x3f: {  	_ =	shalt  }
0x40: {  	_ =	shalt  }
0x41: {  	_ =	shalt  }
0x42: {  	_ =	shalt  }
0x43: {  	_ =	shalt  }
0x44: {  	_ =	shalt  }
0x45: {  	_ =	shalt  }
0x46: {  	_ =	shalt  }
0x47: {  	_ =	shalt  }
0x48: {  	_ =	shalt  }
0x49: {  	_ =	shalt  }
0x4a: {  	_ =	shalt  }
0x4b: {  	_ =	shalt  }
0x4c: {  	_ =	shalt  }
0x4d: {  	_ =	shalt  }
0x4e: {  	_ =	shalt  }
0x4f: {  	_ =	shalt  }
0x50: {  	_ =	shalt  }
0x51: {  	_ =	shalt  }
0x52: {  	_ =	shalt  }
0x53: {  	_ =	shalt  }
0x54: {  	_ =	shalt  }
0x55: {  	_ =	shalt  }
0x56: {  	_ =	shalt  }
0x57: {  	_ =	shalt  }
0x58: {  	_ =	shalt  }
0x59: {  	_ =	shalt  }
0x5a: {  	_ =	shalt  }
0x5b: {  	_ =	shalt  }
0x5c: {  	_ =	shalt  }
0x5d: {  	_ =	shalt  }
0x5e: {  	_ =	shalt  }
0x5f: {  	_ =	shalt  }
0x60: {  	_ =	shalt  }
0x61: {  	_ =	shalt  }
0x62: {  	_ =	shalt  }
0x63: {  	_ =	shalt  }
0x64: {  	_ =	shalt  }
0x65: {  	_ =	shalt  }
0x66: {  	_ =	shalt  }
0x67: {  	_ =	shalt  }
0x68: {  	_ =	shalt  }
0x69: {  	_ =	shalt  }
0x6a: {  	_ =	shalt  }
0x6b: {  	_ =	shalt  }
0x6c: {  	_ =	shalt  }
0x6d: {  	_ =	shalt  }
0x6e: {  	_ =	shalt  }
0x6f: {  	_ =	shalt  }
0x70: {  	_ =	shalt  }
0x71: {  	_ =	shalt  }
0x72: {  	_ =	shalt  }
0x73: {  	_ =	shalt  }
0x74: {  	_ =	shalt  }
0x75: {  	_ =	shalt  }
0x76: {  	_ =	shalt  }
0x77: {  	_ =	shalt  }
0x78: {  	_ =	shalt  }
0x79: {  	_ =	shalt  }
0x7a: {  	_ =	shalt  }
0x7b: {  	_ =	shalt  }
0x7c: {  	_ =	shalt  }
0x7d: {  	_ =	shalt  }
0x7e: {  	_ =	shalt  }
0x7f: {  	_ =	shalt  }
0x80: {  	_ =	shalt  }
0x81: {  	_ =	shalt  }
0x82: {  	_ =	shalt  }
0x83: {  	_ =	shalt  }
0x84: {  	_ =	shalt  }
0x85: {  	_ =	shalt  }
0x86: {  	_ =	shalt  }
0x87: {  	_ =	shalt  }
.Lfunc_end0:
.L_simem_size_0:
called_computation_lowered:
.L_overlay_start_0:
0x88: {  	s2 =	sld [smem:$0x3FD9]  }
0x89: {  	s3 =	sld [smem:$0x3FFE];
	_ =	sdelay $0x1  }
0x8a: {  	s1 =	srdreg.scid  }
0x8b: {  	s0 =	sand.u32 $0x1, s1  }
0x8c: {  	s17 =	sshll.u32 s0, $0xA;
	s2 =	sadd.s32 s3, s2  }
0x8d: {  	s2 =	sadd.s32 s2, s17  }
0x8e: {  	[smem:$0x3FC4] =	sst s2  }
0x8f: {  	_ = 	snop  }
0x90: {  	s2 =	sld [smem:$0x3FD0];
	(tm) =	ssettm $0x1  }
0x91: {  	s18 =	sld [smem:$0x3FFB];
	_ =	sdelay $0x3  }
0x92: {  	_ =	strace s18  }
0x93: {  	s3 =	sld [smem:$0x3FFC];
	_ =	sdelay $0x3  }
0x94: {  	_ =	strace s3  }
0x95: {  	s3 =	sld [smem:$0x3FFD];
	_ =	sdelay $0x3  }
0x96: {  	_ =	strace s3  }
0x97: {  	_ =	strace $0x8FFFFFFF  }
0x98: {  	s19 =	sld [smem:$0x3FDB];
	_ =	sdelay $0x1  }
0x99: {  	s4 =	simm.s32 $_scs_section_size  }
0x9a: {  	s5 =	simm.s32 $_size__tile_overlayer_lowered;
	s6 =	simm.s32 $_tile_overlayer_lowered  }
0x9b: {  	s22 =	simm.s32 $0x1BFF;
	s21 =	sshll.u32 s6, $0x1;
	s3 =	sadd.s32 s4, s19  }
0x9c: {  	s7 =	simm.s32 $0x0;
	s20 =	sshll.u32 s5, $0x1;
	s5 =	sadd.s32 s21, s3  }
0x9d: {  	[timem:s7], [sflag:s22] =	dma.local [hbm:s5], s20  }
0x9e: {  	_ =	swait.ge [sflag:s22], s20  }
0x9f: {  	s4 =	ssub.s32 $0x0, s20;
	[sflag:s22] =	ssyncset.done $0x0  }
0xa0: {  	[sflag:s22] =	ssyncadd.s32 s4;
	_ =	sdelay $0x1  }
0xa1: {  	s23 =	simm.s32 $0x1B8B  }
0xa2: {  	_ =	swait.ge [sflag:s23], $0x1  }
0xa3: {  	[sflag:s23] =	ssyncset.done $0x0  }
0xa4: {  	s25 =	simm.s32 $0x1B8E;
	s24 =	sld [smem:$0x3FFE];
	[sflag:s23] =	ssyncadd.s32 $0xFFFFFFFF  }
0xa5: {  	s26 =	simm.s32 $execute0_lowered;
	[smem:$0x3FD2] =	sst s25  }
0xa6: {  	s5 =	sshll.u32 s26, $0x1;
	_ =	strace $0x80000046;
	[dreg:$0x1] =	wrdreg $0xFFFFFFFF  }
0xa7: {  	s28 =	simm.s32 $_size_execute0_lowered;
	s3 =	sadd.s32 s3, s5;
	[dreg:$0x0] =	wrdreg $0x0  }
0xa8: {  	s5 =	sshll.u32 s28, $0x1;
	[dreg:$0x2] =	wrdreg s3  }
0xa9: {  	[dreg:$0x3] =	wrdreg s5  }
0xaa: {  	[dreg:$0x4] =	wrdreg $0xC0  }
0xab: {  	_ =	task [dreg:s7], $0x5FFFF  }
0xac: {  	[dreg:$0x1] =	wrdreg $0xFFFFFFFF  }
0xad: {  	[dreg:$0x0] =	wrdreg $0x60  }
0xae: {  	[dreg:$0x2] =	wrdreg s24  }
0xaf: {  	[dreg:$0x3] =	wrdreg s2  }
0xb0: {  	[dreg:$0x4] =	wrdreg $0x9  }
0xb1: {  	_ =	task.clear_ibuf [dreg:s7], $0x5FFFF;
	_ =	strace $0x90000046  }
0xb2: {  	s29 =	simm.s32 $0x9;
	_ =	strace $0x80000048  }
0xb3: {  	_ =	swait.ge [sflag:s29], $0x1  }
0xb4: {  	[sflag:s29] =	ssyncadd.s32 $0xFFFFFFFF  }
0xb5: {  	_ =	strace $0x90000048  }
0xb6: {  	_ =	sfence  }
0xb7: {  	s30 =	sld [smem:$0x0];
	_ =	sdelay $0x2  }
0xb8: {  	s31 =	sshll.u32 s1, $0xD;
	s1 =	sshrl.u32 s1, $0x2  }
0xb9: {  	s3 =	sand.u32 $0x4000, s31;
	s1 =	sadd.s32 s1, s30  }
0xba: {  	s0 =	sor.u32 s3, s0;
	s1 =	sshll.u32 s1, $0x11  }
0xbb: {  	s0 =	sor.u32 s1, s0  }
0xbc: {  	s0 =	sadd.s32 $0x8F2B, s0  }
0xbd: {  	[sflag:s0] =	ssyncadd.remote.s32 $0x1  }
0xbe: {  	_ =	sfence.sel $0xFFFF  }
0xbf: {  	[dreg:$0x0] =	wrdreg $0xFFFFFFFF;
	(pc) =	sbr.abs _section_cstart, $3  }
0xc0: {  	[dreg:$0x1] =	wrdreg $0xFFFFFFFF  }
0xc1: {  	_ =	task.clear_ibuf [dreg:s7], $0x2FFFF;
	_ =	strace $0x9FFFFFFF  }
0xc2: {  	(tm) =	ssettm $0x7FFFFFFF  }
0xc3: {  	_ =	shalt  }
tec
execute0_lowered:
.L_overlay_start_1:
0x0: {  	(tag) =	ssettag $0x1  }
0x1: {  	s3 =	rddreg [dreg:$0x0];
	s1 =	srdreg.scid  }
0x2: {  	s0 =	stileid.u32;
	s5 =	rddreg [dreg:$0x1];
	s10 =	simm.s32 $0x4F00  }
0x3: {  	s11 =	simm.s32 $0x7680;
	s12 =	simm.s32 $0x80;
	s13 =	simm.s32 $0x400  }
0x4: {  	s14 =	simm.s32 $0x0;
	s4 =	sand.u32 $0x1, s1;
	s2 =	sshll.u32 s0, $0x1  }
0x5: {  	s1 =	rddreg [dreg:$0x2];
	s7 =	sshrl.u32 s0, $0x2;
	s6 =	sor.u32 s4, s2  }
0x6: {  	s2 =	simm.s32 $0x0;
	s7 =	smul.u32 $0x13C00, s7;
	s8 =	sshll.u32 s6, $0x7  }
0x7: {  	s4 =	ssub.s32 $0x2, s4;
	s6 =	smul.u32 $0x4E2, s6;
	s8 =	sand.u32 $0x380, s8  }
0x8: {  	[smem:$0x7FF] =	sst s2;
	s31 =	sshrl.u32 s4, $0x1;
	s7 =	sor.u32 s7, s8  }
0x9: {  	_ =	strace $0x80000047;
	s6 =	sadd.s32 s6, s3;
	s7 =	sshrl.u32 s7, $0x3  }
0xa: {  	s8 =	ssub.s32 s4, s31;
	s4 =	sadd.s32 $0x2400, s6;
	s9 =	sadd.s32 s7, s3  }
0xb: {  	s3 =	sadd.s32 $0xC200, s6;
	s5 =	sadd.s32 s5, s7;
	s7 =	smax.u32 s8, $0x1  }
0xc: {  	v0 =	vimm.f32 $0.0e+00;
	v1 =	vimm.f32 $1.000000000e+00;
	s8 =	simm.s32 $0x1;
	s6 =	sadd.s32 $0x16000, s9;
	s9 =	simm.s32 $0x2780  }
.LBB2_1:
0xd: {  	[tilespmem:s2], [sflag:$0x1] =	stream.linear.gather [hbm4b:s3+s2], $0x2710, $0x38;
	[tilespmem:$0x9E00] =	vst v63  }
0xe: {  	_ =	swait.ge [sflag:s8], $0x2710  }
0xf: {  	[sflag:s8] =	ssyncset.done $0x0  }
0x10: {  	[sflag:s8] =	ssyncadd.s32 $0xFFFFD8F0  }
0x11: {  	[tilespmem:s9], [sflag:$0x1] =	stream.linear.gather [hbm4b:s4+s2], $0x2710, $0x38;
	[tilespmem:$0x9E00] =	vst v63  }
0x12: {  	_ =	swait.ge [sflag:s8], $0x2710  }
0x13: {  	[sflag:s8] =	ssyncset.done $0x0  }
0x14: {  	s15 =	simm.s32 $0x0;
	[sflag:s8] =	ssyncadd.s32 $0xFFFFD8F0  }
.LBB2_2:
0x15: {  	p0 =	sne.s32 s15, $0x9C00  }
.Ltmp0:
0x16: {  	_ = 	snop;
	(pc) =	sbr.rel @p0 .LBB2_2-.Ltmp0, $4  }
0x17: {  	_ = 	snop  }
0x18: {  	s16 =	sshra.s32 s15, $0x2  }
0x19: {  	[tilespmem:s16+$0x4F00] =	vst v0  }
0x1a: {  	s15 =	sadd.s32 $0x40, s15;
	[tilespmem:s16+$0x7680] =	vst v0  }
0x1b: {  	s16 =	simm.s32 $0x0  }
0x1c: {  	s15 =	simm.s32 $0x40;
	v2 =	vld [tilespmem:s16+$0x0]  }
.LBB2_4:
0x1d: {  	p0 =	sne.s32 s15, $0x9C00  }
0x1e: {  	v3 =	vld [tilespmem:s16+$0x2780];
	_ =	sdelay $0x3  }
.Ltmp1:
0x1f: {  	(pc) =	sbr.rel @p0 .LBB2_4-.Ltmp1, $4  }
0x20: {  	vm0 =	veq.s32 v2, v3  }
0x21: {  	[tilespmem:v2+s10+$0x0] =	vst.idx.add.f32.msk $0xffff, v1;
	v3 =	vsel vm0, $0x3F800000, v0  }
0x22: {  	s16 =	sshra.s32 s15, $0x2;
	[tilespmem:v2+s11+$0x0] =	vst.idx.add.f32.msk $0xffff, v3  }
0x23: {  	s15 =	sadd.s32 $0x40, s15;
	v2 =	vld [tilespmem:s16+$0x0]  }
0x24: {  	_ =	sdelay $0x1  }
0x25: {  	v3 =	vld [tilespmem:s16+$0x2780];
	_ =	sdelay $0x4  }
0x26: {  	vm0 =	veq.s32 v2, v3  }
0x27: {  	[tilespmem:v2+s10+$0x0] =	vst.idx.add.f32.msk $0xffff, v1;
	v3 =	vsel vm0, $0x3F800000, v0  }
0x28: {  	[tilespmem:v2+s11+$0x0] =	vst.idx.add.f32.msk $0xffff, v3  }
0x29: {  	[hbm4b:s5+s12] =	stream.strided.scatter [tilespmem:s10], [sflag:$0x1], $0x2780, s13, s12, $0x38;
	[tilespmem:$0x9E00] =	vst v63  }
0x2a: {  	s14 =	sadd.s32 $0x1, s14;
	_ =	swait.ge [sflag:s8], $0x2780  }
0x2b: {  	p0 =	sne.s32 s14, s7;
	[sflag:s8] =	ssyncset.done $0x0  }
.Ltmp2:
0x2c: {  	[sflag:s8] =	ssyncadd.s32 $0xFFFFD880;
	(pc) =	sbr.rel @p0 .LBB2_1-.Ltmp2, $4  }
0x2d: {  	[hbm4b:s6+s12] =	stream.strided.scatter [tilespmem:s11], [sflag:$0x1], $0x2780, s13, s12, $0x38;
	[tilespmem:$0x9E00] =	vst v63  }
0x2e: {  	_ =	swait.ge [sflag:s8], $0x2780  }
0x2f: {  	[sflag:s8] =	ssyncset.done $0x0  }
0x30: {  	[sflag:s8] =	ssyncadd.s32 $0xFFFFD880  }
0x31: {  	_ =	sfence.sel $0x180000  }
0x32: {  	[bflag:$0x0] =	sbarrier.arrive $0xFFFF  }
0x33: {  	p0 =	sne.s32 s0, $0x0;
	_ =	strace $0x90000047  }
0x34: {  	s0 =	sadd.s32 @!p0 $0x100000, s1;
	[bflag:$0x2] =	sbarrier.arrive $0xFFFF  }
0x35: {  	[sflag:s0] =	ssyncadd.tile.s32 @!p0 $0x1;
	_ =	shalt  }
.Lfunc_end2:
_tile_overlayer_lowered:
.L_overlay_start_2:
0x36: {  	(tag) =	ssettag $0x2  }
0x37: {  	s0 =	rddreg [dreg:$0x0];
	s2 =	stileid.u32  }
0x38: {  	s1 =	rddreg [dreg:$0x1];
	p0 =	sne.s32 s2, $0x0  }
0x39: {  	s3 =	rddreg [dreg:$0x2];
	[bflag:$0x3] =	sbarrier.arrive $0xFFFF;
	s2 =	simm.s32 @!p0 $0x1C01  }
0x3a: {  	[timem:s3], [sflag:s2] =	dma.local @!p0 [hbm:s0], s1  }
0x3b: {  	s0 =	simm.s32 @!p0 $0x1  }
0x3c: {  	_ =	swait.ge @!p0 [sflag:s0], s1  }
0x3d: {  	s1 =	ssub.s32 @!p0 $0x0, s1;
	[sflag:s0] =	ssyncset.done @!p0 $0x0  }
0x3e: {  	[sflag:s0] =	ssyncadd.s32 @!p0 s1  }
0x3f: {  	[bflag:$0x3] =	sbarrier.arrive $0xFFFF  }
0x40: {  	_ =	shalt  }

// kernel: kernel.9.cloned.1.call-start
scs
__scs_entry_jumppad:
0x0: {  	(pc) =	sbr.rel $0x88, $3  }
0x1: {  	(tag) =	ssettag $0x0;
	lr =	simm.s32 $0x1  }
0x2: {  	[smem:$0x3F9D] =	sst lr;
	_ =	strace $0xD0000000  }
0x3: {  	_ = 	snop  }
0x4: {  	_ = 	snop  }
0x5: {  	_ = 	snop  }
0x6: {  	_ = 	snop  }
0x7: {  	_ = 	snop  }
__scs_overlays_trampoline_lowered:
0x8: {  	[smem:$0x3FAC] =	sst s0  }
0x9: {  	[smem:$0x3FAD] =	sst s1  }
0xa: {  	[smem:$0x3FAE] =	sst s2  }
0xb: {  	[smem:$0x3FAF] =	sst s3  }
0xc: {  	[smem:$0x3FB0] =	sst s4  }
0xd: {  	[smem:$0x3FB1] =	sst s5  }
0xe: {  	[smem:$0x3FB2] =	sst s6  }
0xf: {  	[smem:$0x3FB3] =	sst s7  }
0x10: {  	[smem:$0x3FB4] =	sst s8  }
0x11: {  	[smem:$0x3FB5] =	sst s9;
	s0 =	simm.s32 @!p0 $0x0  }
0x12: {  	s1 =	sld [smem:$0x3F9B];
	s0 =	simm.s32 @p0 $0x1  }
0x13: {  	[smem:$0x3FB6] =	sst s0;
	s0 =	simm.s32 @!p1 $0x0  }
0x14: {  	s2 =	sld [smem:$0x3F9A];
	s0 =	simm.s32 @p1 $0x1  }
0x15: {  	[smem:$0x3FB7] =	sst s0;
	s0 =	simm.s32 @!p2 $0x0  }
0x16: {  	s3 =	sld [smem:$0x3FDB];
	s0 =	simm.s32 @p2 $0x1  }
0x17: {  	s4 =	simm.s32 $0x1BF5;
	[smem:$0x3FB9] =	sst s0  }
0x18: {  	s0 =	sld [smem:$0x3F9C];
	_ =	swait.ge [sflag:s4], $0x0  }
0x19: {  	s7 =	sld [smem:$0x3F9D]  }
0x1a: {  	s8 =	sadd.s32 $0xFFFFE003, lr  }
0x1b: {  	s9 =	sadd.s32 $0xFFFFFEF7, lr;
	s5 =	simm.s32 $0xFFFFFFFF;
	p2 =	slt.u32 s8, $0xFFFFF086  }
0x1c: {  	p1 =	slt.u32 s9, $0xF7A;
	s5 =	simm.s32 @!p2 $0x0  }
0x1d: {  	s5 =	simm.s32 @p1 $0x1;
	p0 =	seq.s32 s7, s2  }
0x1e: {  	s7 =	smul.u32 @!p0 $0xF7A, s2;
	p2 =	seq.s32 @!p0 s5, $0x0  }
0x1f: {  	s9 =	smul.u32 $0xF7A, s1;
	s8 =	simm.s32 @!p0 $0x1BF5;
	p2 =	por !p2, p0  }
0x20: {  	[sflag:s8] =	ssyncset.s32 @!p0 $0xFFFFF086;
	s6 =	sadd.s32 @!p0 s3, s7;
	s7 =	simm.s32 @!p0 $0x108  }
0x21: {  	s3 =	sadd.s32 s3, s9;
	s6 =	sadd.s32 @!p0 $0x88, s6;
	s7 =	simm.s32 @p2 $0x1082  }
0x22: {  	[simem:s7], [sflag:s8] =	dma.local @!p0 [hbm:s6], $0xF7A  }
0x23: {  	s9 =	sor.u32 $0xD0000000, s2;
	s6 =	simm.s32 $0x108;
	_ =	swait.ge @!p0 [sflag:s8], $0x0  }
0x24: {  	s3 =	sadd.s32 $0x88, s3;
	s6 =	simm.s32 @!p1 $0x1082;
	[sflag:s4] =	ssyncset.s32 $0xFFFFF086  }
0x25: {  	[simem:s6], [sflag:s4] =	dma.local [hbm:s3], $0xF7A  }
0x26: {  	[smem:$0x3F9D] =	sst s1;
	(tag) =	ssettag s2;
	_ =	strace s9  }
0x27: {  	s1 =	sld [smem:$0x3FAD]  }
0x28: {  	s2 =	sld [smem:$0x3FAE]  }
0x29: {  	s4 =	sld [smem:$0x3FB0]  }
0x2a: {  	p0 =	seq.s32 s5, $0x0;
	s5 =	sld [smem:$0x3FB1]  }
0x2b: {  	s6 =	sld [smem:$0x3FB2]  }
0x2c: {  	s7 =	sld [smem:$0x3FB3]  }
0x2d: {  	s3 =	simm.s32 $0x108;
	s8 =	sld [smem:$0x3FB4]  }
0x2e: {  	s3 =	simm.s32 @!p0 $0x1082;
	s9 =	sld [smem:$0x3FB5]  }
0x2f: {  	lr =	sadd.s32 s0, s3;
	s0 =	sld [smem:$0x3FAC]  }
0x30: {  	s3 =	sld [smem:$0x3FAF]  }
0x31: {  	[smem:$0x3FB8] =	sst s10  }
0x32: {  	s10 =	sld [smem:$0x3FB6];
	_ =	sdelay $0x3  }
0x33: {  	p0 =	seq.s32 s10, $0x1;
	s10 =	sld [smem:$0x3FB8];
	_ =	sdelay $0x3  }
0x34: {  	[smem:$0x3FB8] =	sst s10  }
0x35: {  	s10 =	sld [smem:$0x3FB7];
	_ =	sdelay $0x3  }
0x36: {  	p1 =	seq.s32 s10, $0x1;
	s10 =	sld [smem:$0x3FB8];
	_ =	sdelay $0x3  }
0x37: {  	[smem:$0x3FB8] =	sst s10  }
0x38: {  	s10 =	sld [smem:$0x3FB9]  }
0x39: {  	_ = 	snop;
	(pc) =	sbr.ind lr, $3  }
0x3a: {  	_ = 	snop  }
0x3b: {  	_ = 	snop  }
0x3c: {  	p2 =	seq.s32 s10, $0x1;
	s10 =	sld [smem:$0x3FB8]  }
0x3d: {  	_ =	shalt  }
0x3e: {  	_ =	shalt  }
0x3f: {  	_ =	shalt  }
0x40: {  	_ =	shalt  }
0x41: {  	_ =	shalt  }
0x42: {  	_ =	shalt  }
0x43: {  	_ =	shalt  }
0x44: {  	_ =	shalt  }
0x45: {  	_ =	shalt  }
0x46: {  	_ =	shalt  }
0x47: {  	_ =	shalt  }
0x48: {  	_ =	shalt  }
0x49: {  	_ =	shalt  }
0x4a: {  	_ =	shalt  }
0x4b: {  	_ =	shalt  }
0x4c: {  	_ =	shalt  }
0x4d: {  	_ =	shalt  }
0x4e: {  	_ =	shalt  }
0x4f: {  	_ =	shalt  }
0x50: {  	_ =	shalt  }
0x51: {  	_ =	shalt  }
0x52: {  	_ =	shalt  }
0x53: {  	_ =	shalt  }
0x54: {  	_ =	shalt  }
0x55: {  	_ =	shalt  }
0x56: {  	_ =	shalt  }
0x57: {  	_ =	shalt  }
0x58: {  	_ =	shalt  }
0x59: {  	_ =	shalt  }
0x5a: {  	_ =	shalt  }
0x5b: {  	_ =	shalt  }
0x5c: {  	_ =	shalt  }
0x5d: {  	_ =	shalt  }
0x5e: {  	_ =	shalt  }
0x5f: {  	_ =	shalt  }
0x60: {  	_ =	shalt  }
0x61: {  	_ =	shalt  }
0x62: {  	_ =	shalt  }
0x63: {  	_ =	shalt  }
0x64: {  	_ =	shalt  }
0x65: {  	_ =	shalt  }
0x66: {  	_ =	shalt  }
0x67: {  	_ =	shalt  }
0x68: {  	_ =	shalt  }
0x69: {  	_ =	shalt  }
0x6a: {  	_ =	shalt  }
0x6b: {  	_ =	shalt  }
0x6c: {  	_ =	shalt  }
0x6d: {  	_ =	shalt  }
0x6e: {  	_ =	shalt  }
0x6f: {  	_ =	shalt  }
0x70: {  	_ =	shalt  }
0x71: {  	_ =	shalt  }
0x72: {  	_ =	shalt  }
0x73: {  	_ =	shalt  }
0x74: {  	_ =	shalt  }
0x75: {  	_ =	shalt  }
0x76: {  	_ =	shalt  }
0x77: {  	_ =	shalt  }
0x78: {  	_ =	shalt  }
0x79: {  	_ =	shalt  }
0x7a: {  	_ =	shalt  }
0x7b: {  	_ =	shalt  }
0x7c: {  	_ =	shalt  }
0x7d: {  	_ =	shalt  }
0x7e: {  	_ =	shalt  }
0x7f: {  	_ =	shalt  }
0x80: {  	_ =	shalt  }
0x81: {  	_ =	shalt  }
0x82: {  	_ =	shalt  }
0x83: {  	_ =	shalt  }
0x84: {  	_ =	shalt  }
0x85: {  	_ =	shalt  }
0x86: {  	_ =	shalt  }
0x87: {  	_ =	shalt  }
.Lfunc_end0:
.L_simem_size_0:
called_computation.1_lowered:
.L_overlay_start_0:
0x88: {  	s2 =	sld [smem:$0x3FD9]  }
0x89: {  	s3 =	sld [smem:$0x3FFE];
	_ =	sdelay $0x1  }
0x8a: {  	s1 =	srdreg.scid  }
0x8b: {  	s0 =	sand.u32 $0x1, s1  }
0x8c: {  	s16 =	sshll.u32 s0, $0xA;
	s2 =	sadd.s32 s3, s2  }
0x8d: {  	s2 =	sadd.s32 s2, s16  }
0x8e: {  	[smem:$0x3FC4] =	sst s2  }
0x8f: {  	_ = 	snop  }
0x90: {  	(tm) =	ssettm $0x1  }
0x91: {  	s17 =	sld [smem:$0x3FFB];
	_ =	sdelay $0x3  }
0x92: {  	_ =	strace s17  }
0x93: {  	s2 =	sld [smem:$0x3FFC];
	_ =	sdelay $0x3  }
0x94: {  	_ =	strace s2  }
0x95: {  	s2 =	sld [smem:$0x3FFD];
	_ =	sdelay $0x3  }
0x96: {  	_ =	strace s2  }
0x97: {  	_ =	strace $0x8FFFFFFF  }
0x98: {  	s18 =	sld [smem:$0x3FDB];
	_ =	sdelay $0x1  }
0x99: {  	s19 =	simm.s32 $_scs_section_size  }
0x9a: {  	s4 =	simm.s32 $_size__tile_overlayer_lowered;
	s5 =	simm.s32 $_tile_overlayer_lowered  }
0x9b: {  	s22 =	simm.s32 $0x1BFF;
	s21 =	sshll.u32 s5, $0x1;
	s2 =	sadd.s32 s19, s18  }
0x9c: {  	s6 =	simm.s32 $0x0;
	s20 =	sshll.u32 s4, $0x1;
	s4 =	sadd.s32 s21, s2  }
0x9d: {  	[timem:s6], [sflag:s22] =	dma.local [hbm:s4], s20  }
0x9e: {  	_ =	swait.ge [sflag:s22], s20  }
0x9f: {  	s3 =	ssub.s32 $0x0, s20;
	[sflag:s22] =	ssyncset.done $0x0  }
0xa0: {  	[sflag:s22] =	ssyncadd.s32 s3;
	_ =	sdelay $0x1  }
0xa1: {  	s23 =	simm.s32 $0x1B8B  }
0xa2: {  	_ =	swait.ge [sflag:s23], $0x1  }
0xa3: {  	[sflag:s23] =	ssyncset.done $0x0  }
0xa4: {  	s25 =	simm.s32 $0x1B8E;
	s24 =	sld [smem:$0x3FFE];
	[sflag:s23] =	ssyncadd.s32 $0xFFFFFFFF  }
0xa5: {  	s26 =	simm.s32 $execute0_lowered;
	[smem:$0x3FD2] =	sst s25  }
0xa6: {  	s4 =	sshll.u32 s26, $0x1;
	_ =	strace $0x80000049;
	[dreg:$0x1] =	wrdreg $0xFFFFFFFF  }
0xa7: {  	s28 =	simm.s32 $_size_execute0_lowered;
	s2 =	sadd.s32 s2, s4;
	[dreg:$0x0] =	wrdreg $0x0  }
0xa8: {  	s4 =	sshll.u32 s28, $0x1;
	[dreg:$0x2] =	wrdreg s2  }
0xa9: {  	[dreg:$0x3] =	wrdreg s4  }
0xaa: {  	[dreg:$0x4] =	wrdreg $0xC0  }
0xab: {  	_ =	task [dreg:s6], $0x5FFFF  }
0xac: {  	[dreg:$0x1] =	wrdreg $0xFFFFFFFF  }
0xad: {  	[dreg:$0x0] =	wrdreg $0x60  }
0xae: {  	[dreg:$0x2] =	wrdreg s24  }
0xaf: {  	[dreg:$0x3] =	wrdreg $0xA0000  }
0xb0: {  	[dreg:$0x4] =	wrdreg $0x9  }
0xb1: {  	_ =	task.clear_ibuf [dreg:s6], $0x5FFFF;
	_ =	strace $0x90000049  }
0xb2: {  	s29 =	simm.s32 $0x9;
	_ =	strace $0x8000004B  }
0xb3: {  	_ =	swait.ge [sflag:s29], $0x1  }
0xb4: {  	[sflag:s29] =	ssyncadd.s32 $0xFFFFFFFF  }
0xb5: {  	_ =	strace $0x9000004B  }
0xb6: {  	_ =	sfence  }
0xb7: {  	s30 =	sld [smem:$0x0];
	_ =	sdelay $0x2  }
0xb8: {  	s31 =	sshll.u32 s1, $0xD;
	s1 =	sshrl.u32 s1, $0x2  }
0xb9: {  	s3 =	sand.u32 $0x4000, s31;
	s1 =	sadd.s32 s1, s30  }
0xba: {  	s0 =	sor.u32 s3, s0;
	s1 =	sshll.u32 s1, $0x11  }
0xbb: {  	s0 =	sor.u32 s1, s0  }
0xbc: {  	s0 =	sadd.s32 $0x8F2B, s0  }
0xbd: {  	[sflag:s0] =	ssyncadd.remote.s32 $0x1  }
0xbe: {  	_ =	sfence.sel $0xFFFF  }
0xbf: {  	[dreg:$0x0] =	wrdreg $0xFFFFFFFF;
	(pc) =	sbr.abs _section_cstart, $3  }
0xc0: {  	[dreg:$0x1] =	wrdreg $0xFFFFFFFF  }
0xc1: {  	_ =	task.clear_ibuf [dreg:s6], $0x2FFFF;
	_ =	strace $0x9FFFFFFF  }
0xc2: {  	(tm) =	ssettm $0x7FFFFFFF  }
0xc3: {  	_ =	shalt  }
tec
execute0_lowered:
.L_overlay_start_1:
0x0: {  	(tag) =	ssettag $0x1  }
0x1: {  	s0 =	rddreg [dreg:$0x0]  }
0x2: {  	s2 =	rddreg [dreg:$0x1];
	s1 =	stileid.u32  }
0x3: {  	s4 =	srdreg.scid;
	s3 =	simm.s32 $0x0;
	s16 =	simm.s32 $0x80  }
0x4: {  	s17 =	simm.s32 $0x2000;
	s18 =	simm.s32 $0x6000;
	s19 =	simm.s32 $0x1  }
0x5: {  	s20 =	simm.s32 $0x2;
	s21 =	simm.s32 $0x780;
	s22 =	simm.s32 $0x1700  }
0x6: {  	s23 =	simm.s32 $0x1780;
	s24 =	simm.s32 $0x0;
	s5 =	smul.u32 $0x13C00, s1  }
0x7: {  	s8 =	sand.u32 $0x1, s4;
	[smem:$0x7FF] =	sst s3;
	s4 =	sadd.s32 $0x33E00, s0  }
0x8: {  	s9 =	sadd.s32 $0x1FE00, s0;
	s10 =	sadd.s32 $0x29E00, s0;
	s26 =	smul.u32 $0x4F000, s1  }
0x9: {  	s11 =	sshll.u32 s1, $0x1;
	s29 =	sshll.u32 s1, $0x6;
	s14 =	smul.u32 $0xA00, s1  }
0xa: {  	s6 =	smul.u32 $0x13C000, s8;
	_ =	strace $0x8000004A;
	s28 =	ssub.s32 $0x2, s8  }
0xb: {  	s11 =	sor.u32 s8, s11;
	s15 =	smul.u32 $0x500, s8;
	s7 =	sshrl.u32 s5, $0x3  }
0xc: {  	s12 =	sshrl.u32 s28, $0x1;
	s11 =	smul.u32 $0x500, s11;
	s30 =	sadd.s32 s14, s9  }
0xd: {  	s5 =	sadd.s32 s5, s6;
	s25 =	sadd.s32 s7, s0;
	s7 =	sshrl.u32 s26, $0x2  }
0xe: {  	s12 =	ssub.s32 s28, s12;
	s6 =	sor.u32 $0x1C04, s29;
	s31 =	sadd.s32 s15, s30  }
.Ltmp0:
0xf: {  	s5 =	sshrl.u32 s5, $0x3;
	s13 =	sadd.s32 s7, s2;
	(pc) =	sbr.rel .LBB2_1-.Ltmp0, $4  }
0x10: {  	s7 =	sadd.s32 s9, s11;
	s8 =	sadd.s32 s10, s11;
	s10 =	sadd.s32 s14, s10  }
0x11: {  	s11 =	sadd.s32 $0x100, s31;
	s0 =	sadd.s32 s5, s0;
	s5 =	sadd.s32 $0x5B000, s25  }
0x12: {  	s14 =	sadd.s32 s15, s10;
	s10 =	smax.u32 s12, $0x1;
	s13 =	sshrl.u32 s13, $0x3  }
0x13: {  	s9 =	sadd.s32 $0x82800, s0;
	s12 =	sadd.s32 $0x100, s14;
	s14 =	simm.s32 $0x4  }
.LBB2_6:
0x14: {  	[tilespmem:s18], [sflag:$0x2] =	stream.indirect.gather [hbm4b:s4+s16], $0x80, s21, s16, $0xb8;
	[tilespmem:$0x1DC00] =	vst v63  }
0x15: {  	_ =	swait.ge [sflag:s19], $0x4000  }
0x16: {  	[sflag:s19] =	ssyncset.done $0x0  }
0x17: {  	[sflag:s19] =	ssyncadd.s32 $0xFFFFC000  }
0x18: {  	[spmem:s2] =	stream.indirect.scatter.add.f32 [tilespmem:s17], [sflag:$0x4], $0x80, s22, s16, $0xb8;
	[tilespmem:$0x1DC00] =	vst v63  }
0x19: {  	_ =	swait.ge [sflag:s14], $0x4000  }
0x1a: {  	[sflag:s14] =	ssyncset.done $0x0  }
0x1b: {  	[sflag:s14] =	ssyncadd.s32 $0xFFFFC000  }
0x1c: {  	_ =	swait.ge [sflag:s20], $0x4000  }
0x1d: {  	[sflag:s20] =	ssyncset.done $0x0  }
0x1e: {  	[sflag:s20] =	ssyncadd.s32 $0xFFFFC000  }
0x1f: {  	[spmem:s2] =	stream.indirect.scatter.add.f32 [tilespmem:s18], [sflag:$0x4], $0x80, s23, s16, $0xb8;
	[tilespmem:$0x1DC00] =	vst v63  }
0x20: {  	_ =	swait.ge [sflag:s14], $0x4000  }
0x21: {  	s24 =	sadd.s32 $0x1, s24;
	[sflag:s14] =	ssyncset.done $0x0  }
0x22: {  	p0 =	sne.s32 s24, s10;
	[sflag:s14] =	ssyncadd.s32 $0xFFFFC000  }
.Ltmp1:
0x23: {  	[bflag:$0x0] =	sbarrier.arrive $0xFFFF;
	(pc) =	sbr.rel @!p0 .LBB2_7-.Ltmp1, $4  }
0x24: {  	[hbm:s9], [sflag:s6] =	dma.local [spmem:s13], $0x2780  }
0x25: {  	_ =	swait.ge [sflag:s14], $0x2780  }
0x26: {  	[sflag:s14] =	ssyncset.done $0x0  }
0x27: {  	[sflag:s14] =	ssyncadd.s32 $0xFFFFD880  }
.LBB2_1:
0x28: {  	[spmem:s13], [sflag:s6] =	dma.local [hbm:s5], $0x2780  }
0x29: {  	_ =	swait.ge [sflag:s14], $0x2780  }
0x2a: {  	[sflag:s14] =	ssyncset.done $0x0  }
0x2b: {  	[sflag:s14] =	ssyncadd.s32 $0xFFFFD880  }
0x2c: {  	[tilespmem:s3], [sflag:$0x4] =	stream.linear.gather [hbm4b:s7+s3], $0x800, $0x38;
	[tilespmem:$0x1DC00] =	vst v63  }
0x2d: {  	_ =	swait.ge [sflag:s14], $0x800  }
0x2e: {  	[sflag:s14] =	ssyncset.done $0x0  }
0x2f: {  	s0 =	simm.s32 $0x1000;
	[sflag:s14] =	ssyncadd.s32 $0xFFFFF800  }
0x30: {  	[tilespmem:s0], [sflag:$0x4] =	stream.linear.gather [hbm4b:s8+s3], $0x800, $0x38;
	[tilespmem:$0x1DC00] =	vst v63  }
.Ltmp2:
0x31: {  	_ =	swait.ge [sflag:s14], $0x800;
	(pc) =	sbr.rel .LBB2_2-.Ltmp2, $4  }
0x32: {  	s25 =	smov.u32 s12;
	[sflag:s14] =	ssyncset.done $0x0  }
0x33: {  	s26 =	smov.u32 s11;
	s28 =	simm.s32 $0x2;
	[sflag:s14] =	ssyncadd.s32 $0xFFFFF800  }
0x34: {  	s29 =	simm.s32 $0x0;
	s30 =	simm.s32 $0x0;
	[bflag:$0x0] =	sbarrier.arrive $0xFFFF  }
0x35: {  	[tilespmem:s17], [sflag:$0x1] =	stream.indirect.gather [hbm4b:s4+s16], $0x80, s3, s16, $0xb8;
	[tilespmem:$0x1DC00] =	vst v63  }
.LBB2_4:
0x36: {  	p0 =	sne.s32 s31, $0xE  }
0x37: {  	s1 =	simm.s32 @!p0 $0x3  }
0x38: {  	_ =	swait.ge @!p0 [sflag:s1], $0x800  }
0x39: {  	[sflag:s1] =	ssyncset.done @!p0 $0x0  }
0x3a: {  	[sflag:s1] =	ssyncadd.s32 @!p0 $0xFFFFF800  }
0x3b: {  	_ =	swait.ge @!p0 [sflag:s1], $0x800  }
0x3c: {  	s0 =	sshll.u32 s30, $0x1;
	[sflag:s1] =	ssyncset.done @!p0 $0x0  }
0x3d: {  	s0 =	sadd.s32 $0x2, s0;
	[sflag:s1] =	ssyncadd.s32 @!p0 $0xFFFFF800  }
.LBB2_5:
0x3e: {  	s1 =	sand.u32 $0xF00, s29  }
0x3f: {  	s15 =	sor.u32 $0x80, s1  }
0x40: {  	[tilespmem:s18], [sflag:$0x2] =	stream.indirect.gather [hbm4b:s4+s16], $0x80, s15, s16, $0xb8;
	[tilespmem:$0x1DC00] =	vst v63  }
0x41: {  	s31 =	sshll.u32 s31, $0x7;
	s15 =	sand.u32 $0x800, s29;
	_ =	swait.ge [sflag:s19], $0x4000  }
0x42: {  	s15 =	sor.u32 s31, s15;
	[sflag:s19] =	ssyncset.done $0x0  }
0x43: {  	s15 =	sor.u32 $0x1000, s15;
	[sflag:s19] =	ssyncadd.s32 $0xFFFFC000  }
0x44: {  	[spmem:s2] =	stream.indirect.scatter.add.f32 [tilespmem:s17], [sflag:$0x4], $0x80, s15, s16, $0xb8;
	[tilespmem:$0x1DC00] =	vst v63  }
0x45: {  	_ =	swait.ge [sflag:s14], $0x4000  }
0x46: {  	s0 =	sshll.u32 s0, $0x7;
	[sflag:s14] =	ssyncset.done $0x0  }
0x47: {  	s0 =	sand.u32 $0xF00, s0;
	[sflag:s14] =	ssyncadd.s32 $0xFFFFC000  }
0x48: {  	[tilespmem:s17], [sflag:$0x1] =	stream.indirect.gather [hbm4b:s4+s16], $0x80, s0, s16, $0xb8;
	[tilespmem:$0x1DC00] =	vst v63  }
0x49: {  	s28 =	sadd.s32 $0x2, s28;
	_ =	swait.ge [sflag:s20], $0x4000  }
0x4a: {  	p0 =	sne.s32 s28, $0x50;
	[sflag:s20] =	ssyncset.done $0x0  }
.Ltmp3:
0x4b: {  	s31 =	sor.u32 $0x1080, s1;
	[sflag:s20] =	ssyncadd.s32 $0xFFFFC000;
	(pc) =	sbr.rel @!p0 .LBB2_6-.Ltmp3, $4  }
0x4c: {  	[spmem:s2] =	stream.indirect.scatter.add.f32 [tilespmem:s18], [sflag:$0x4], $0x80, s31, s16, $0xb8;
	[tilespmem:$0x1DC00] =	vst v63  }
0x4d: {  	_ =	swait.ge [sflag:s14], $0x4000  }
0x4e: {  	s30 =	sadd.s32 $0x1, s30;
	s26 =	sadd.s32 $0x20, s26;
	[sflag:s14] =	ssyncset.done $0x0  }
0x4f: {  	s25 =	sadd.s32 $0x20, s25;
	s29 =	sadd.s32 $0x100, s29;
	[sflag:s14] =	ssyncadd.s32 $0xFFFFC000  }
.LBB2_2:
0x50: {  	s0 =	sadd.s32 $0xFFFFFFFE, s28  }
0x51: {  	p0 =	sgt.u32 s30, $0x1F;
	s31 =	sand.u32 $0xE, s0  }
0x52: {  	p1 =	sne.s32 @!p0 s31, $0x0  }
0x53: {  	p0 =	por p0, p1  }
.Ltmp4:
0x54: {  	_ = 	snop;
	(pc) =	sbr.rel @p0 .LBB2_4-.Ltmp4, $1  }
0x55: {  	_ =	sdelay $0x3  }
0x56: {  	s0 =	sxor.u32 $0xFFFFFFFF, s29  }
.Ltmp5:
0x57: {  	s0 =	sand.u32 $0x800, s0;
	(pc) =	sbr.rel .LBB2_5-.Ltmp5, $4  }
0x58: {  	[tilespmem:s0], [sflag:$0x3] =	stream.linear.gather [hbm4b:s26+s3], $0x800, $0x38;
	[tilespmem:$0x1DC00] =	vst v63  }
0x59: {  	s0 =	sor.u32 $0x1000, s0  }
0x5a: {  	[tilespmem:s0], [sflag:$0x3] =	stream.linear.gather [hbm4b:s25+s3], $0x800, $0x38;
	[tilespmem:$0x1DC00] =	vst v63  }
0x5b: {  	s0 =	smov.u32 s28  }
.LBB2_7:
0x5c: {  	_ =	sfence.sel $0x180000  }
0x5d: {  	[bflag:$0x0] =	sbarrier.arrive $0xFFFF  }
0x5e: {  	_ =	strace $0x9000004A  }
0x5f: {  	s0 =	stileid.u32;
	[bflag:$0x2] =	sbarrier.arrive $0xFFFF  }
0x60: {  	p0 =	sne.s32 s0, $0x0;
	s0 =	rddreg [dreg:$0x2]  }
0x61: {  	s0 =	sadd.s32 @!p0 $0x100000, s0  }
0x62: {  	[sflag:s0] =	ssyncadd.tile.s32 @!p0 $0x1;
	_ =	shalt  }
.Lfunc_end2:
_tile_overlayer_lowered:
.L_overlay_start_2:
0x63: {  	(tag) =	ssettag $0x2  }
0x64: {  	s0 =	rddreg [dreg:$0x0];
	s2 =	stileid.u32  }
0x65: {  	s1 =	rddreg [dreg:$0x1];
	p0 =	sne.s32 s2, $0x0  }
0x66: {  	s3 =	rddreg [dreg:$0x2];
	[bflag:$0x3] =	sbarrier.arrive $0xFFFF;
	s2 =	simm.s32 @!p0 $0x1C04  }
0x67: {  	[timem:s3], [sflag:s2] =	dma.local @!p0 [hbm:s0], s1  }
0x68: {  	s0 =	simm.s32 @!p0 $0x4  }
0x69: {  	_ =	swait.ge @!p0 [sflag:s0], s1  }
0x6a: {  	s1 =	ssub.s32 @!p0 $0x0, s1;
	[sflag:s0] =	ssyncset.done @!p0 $0x0  }
0x6b: {  	[sflag:s0] =	ssyncadd.s32 @!p0 s1  }
0x6c: {  	[bflag:$0x3] =	sbarrier.arrive $0xFFFF  }
0x6d: {  	_ =	shalt  }

</sc_bundles>
